<compile_context>
chip_gen: v7x
topology: tpu7x:2x2x1
jax: 0.10.2.dev20260603
libtpu: 0.0.44.dev20260713+nightly
codegen_flags: <defaults>
</compile_context>

<pallas_src>
import functools
import math

import jax
import jax.numpy as jnp
from jax import lax
from jax.experimental import pallas as pl
from jax.experimental.pallas import tpu as pltpu
from jax.experimental.pallas import tpu_sc as plsc

_K = 10
_QB = 256
_MT = 1024
_RUN = 128
_NEG = float("-inf")
_IMAX = 2147483647


def _topk_body(h_ref, w_ref, b_ref, mem_ref, msq_ref, idx_ref, wgt_ref,
               q_ref, tv_ref, ti_ref, *, nm, m_total, mt):
    mb = pl.program_id(1)

    @pl.when(mb == 0)
    def _():
        q = jnp.dot(h_ref[...].astype(jnp.bfloat16),
                    w_ref[...].astype(jnp.bfloat16),
                    preferred_element_type=jnp.float32)
        q_ref[...] = q + b_ref[...][None, :]
        tv_ref[...] = jnp.full(tv_ref.shape, _NEG, jnp.float32)
        ti_ref[...] = jnp.full(ti_ref.shape, _IMAX, jnp.int32)

    q = q_ref[...]
    q_sq = jnp.sum(q * q, axis=1, keepdims=True)
    mem_t = mem_ref[...]
    s = lax.dot_general(q.astype(jnp.bfloat16), mem_t.astype(jnp.bfloat16),
                        (((1,), (1,)), ((), ())),
                        preferred_element_type=jnp.float32)
    msq = msq_ref[...]
    neg = -((q_sq - 2.0 * s) + msq)
    iota = lax.broadcasted_iota(jnp.int32, neg.shape, 1)
    neg = jnp.where(mb * mt + iota < m_total, neg, _NEG)

    lane16 = lax.broadcasted_iota(jnp.int32, tv_ref.shape, 1)

    def _cond(carry):
        _, mx, rv, _ = carry
        return jnp.any(mx > rv[:, _K - 1:_K])

    def _body(carry):
        cand, mx, rv, ri = carry
        live = mx > rv[:, _K - 1:_K]
        sel = jnp.min(jnp.where(cand == mx, iota, mt), axis=1,
                      keepdims=True)
        gsel = mb * mt + sel
        pos = jnp.sum((rv >= mx).astype(jnp.int32), axis=1,
                      keepdims=True)
        sh_v = jnp.concatenate([rv[:, :1], rv[:, :-1]], axis=1)
        sh_i = jnp.concatenate([ri[:, :1], ri[:, :-1]], axis=1)
        nv = jnp.where(lane16 < pos, rv, jnp.where(lane16 == pos, mx, sh_v))
        ni = jnp.where(lane16 < pos, ri, jnp.where(lane16 == pos, gsel, sh_i))
        rv = jnp.where(live, nv, rv)
        ri = jnp.where(live, ni, ri)
        cand = jnp.where(iota == sel, _NEG, cand)
        mx = jnp.max(cand, axis=1, keepdims=True)
        return cand, mx, rv, ri

    mx0 = jnp.max(neg, axis=1, keepdims=True)
    _, _, run_v, run_i = lax.while_loop(
        _cond, _body, (neg, mx0, tv_ref[...], ti_ref[...]))
    tv_ref[...] = run_v
    ti_ref[...] = run_i

    @pl.when(mb == nm - 1)
    def _():
        tv = run_v[:, :_K]
        e = jnp.exp(tv - tv[:, 0:1])
        wgt_ref[...] = e / jnp.sum(e, axis=1, keepdims=True)
        idx_ref[...] = run_i[:, :_K]


def _topk_pallas(h, mem, W_q, b_q, interpret=False):
    Q, DH = h.shape
    M, D = mem.shape
    nq = Q // _QB
    nm = math.ceil(M / _MT)
    mpad = nm * _MT
    msq = jnp.pad(jnp.sum(mem * mem, axis=1), (0, mpad - M))[None, :]
    body = functools.partial(_topk_body, nm=nm, m_total=M, mt=_MT)
    return pl.pallas_call(
        body,
        grid=(nq, nm),
        in_specs=[
            pl.BlockSpec((_QB, DH), lambda i, j: (i, 0)),
            pl.BlockSpec((DH, D), lambda i, j: (0, 0)),
            pl.BlockSpec((D,), lambda i, j: (0,)),
            pl.BlockSpec((_MT, D), lambda i, j: (j, 0)),
            pl.BlockSpec((1, _MT), lambda i, j: (0, j)),
        ],
        out_specs=[
            pl.BlockSpec((_QB, _K), lambda i, j: (i, 0)),
            pl.BlockSpec((_QB, _K), lambda i, j: (i, 0)),
        ],
        out_shape=[
            jax.ShapeDtypeStruct((Q, _K), jnp.int32),
            jax.ShapeDtypeStruct((Q, _K), jnp.float32),
        ],
        scratch_shapes=[
            pltpu.VMEM((_QB, D), jnp.float32),
            pltpu.VMEM((_QB, 16), jnp.float32),
            pltpu.VMEM((_QB, 16), jnp.int32),
        ],
        compiler_params=pltpu.CompilerParams(
            dimension_semantics=("arbitrary", "arbitrary"),
        ),
        interpret=interpret,
    )(h, W_q, b_q, mem, msq)


def _gather_sc(mem, idx, wgt):
    M, D = mem.shape
    Q, K = idx.shape
    info = plsc.get_sparse_core_info()
    nw = info.num_cores * info.num_subcores
    qw = Q // nw
    rows_w = qw * K
    ch = 4
    rch = rows_w // ch
    nd = D // 16

    idx1 = idx.reshape(Q * K)
    wgt16 = jnp.pad(wgt, ((0, 0), (0, 16 - K))).reshape(Q * 16)
    wpw = qw * 16
    mesh = plsc.VectorSubcoreMesh(core_axis_name="c", subcore_axis_name="s")

    @functools.partial(
        pl.kernel,
        out_type=jax.ShapeDtypeStruct((Q, D), jnp.float32),
        mesh=mesh,
        scratch_types=[
            pltpu.VMEM((ch, rch), jnp.int32),
            pltpu.VMEM((wpw,), jnp.float32),
            pltpu.VMEM((ch, rch, D), jnp.float32),
            pltpu.VMEM((qw, D), jnp.float32),
            pltpu.SemaphoreType.DMA,
        ],
    )
    def gather_kernel(mem_hbm, idx_hbm, wgt_hbm, out_hbm,
                      idx_v, wgt_v, rows_v, out_v, sem):
        wid = lax.axis_index("s") * info.num_cores + lax.axis_index("c")
        for c in range(ch):
            pltpu.sync_copy(idx_hbm.at[pl.ds(wid * rows_w + c * rch, rch)],
                            idx_v.at[c])
        pltpu.sync_copy(wgt_hbm.at[pl.ds(wid * wpw, wpw)], wgt_v)
        copies = [
            pltpu.async_copy(mem_hbm.at[idx_v.at[c]], rows_v.at[c], sem)
            for c in range(ch)
        ]
        for c in range(ch):
            copies[c].wait()

        def qbody(qq, carry):
            base = qq * K
            w16 = wgt_v[pl.ds(qq * 16, 16)]
            accs = [jnp.zeros((16,), jnp.float32) for _ in range(nd)]
            for k in range(K):
                i = base + k
                c = i // rch
                r = i - c * rch
                w = w16[k]
                for d in range(nd):
                    accs[d] = accs[d] + w * rows_v[c, r, pl.ds(d * 16, 16)]
            for d in range(nd):
                out_v[qq, pl.ds(d * 16, 16)] = accs[d]
            return carry

        lax.fori_loop(0, qw, qbody, 0)
        pltpu.sync_copy(out_v, out_hbm.at[pl.ds(wid * qw, qw)])

    return gather_kernel(mem, idx1, wgt16)


def kernel(h, mem, W_q, b_q):
    idx, wgt = _topk_pallas(h, mem, W_q, b_q)
    retrieved = _gather_sc(mem, idx, wgt)
    return retrieved, idx

# --- scband reference (transcript-rebuilt; emitter-appended) ---
"""Pipeline reference for scband-fbamsparse-memory-agent-14723147891394 (READ-ONLY COPY).

The authoritative reference and input builder live on the scoring server;
editing this copy changes nothing except your own understanding.
"""

import jax, jax.numpy as jnp
import numpy as np

Q = 1024      # batch of hidden states (queries)
M = 100000    # memory_slots
D_H = 512     # integrator_hidden_dim
D_M = 128     # memory_dim
K = 10        # k_neighbors


def setup_inputs(seed: int = 0) -> dict:
    key = jax.random.key(seed)
    k1, k2, k3, k4 = jax.random.split(key, 4)
    h = jax.random.normal(k1, (Q, D_H), dtype=jnp.float32)
    mem = jax.random.normal(k2, (M, D_M), dtype=jnp.float32)
    # learned params of query_proj (nn.Linear(hidden, memory_dim))
    W_q = jax.random.normal(k3, (D_H, D_M), dtype=jnp.float32) * 0.02
    b_q = jax.random.normal(k4, (D_M,), dtype=jnp.float32) * 0.02
    return {"h": h, "mem": mem, "W_q": W_q, "b_q": b_q}


def reference(h, mem, W_q, b_q):
    # _read_memory: query_proj(h) -> FAISS L2 top-k search over memory -> softmax(-dist) weighted sum
    q = h @ W_q + b_q                                   # [Q, D_M]
    q_sq = jnp.sum(q * q, axis=1, keepdims=True)        # [Q, 1]
    m_sq = jnp.sum(mem * mem, axis=1)                   # [M]
    d2 = q_sq - 2.0 * (q @ mem.T) + m_sq[None, :]       # exact L2^2 distances [Q, M]
    neg_d, idx = jax.lax.top_k(-d2, K)                  # k nearest (smallest dist)
    dists = -neg_d                                      # [Q, K]
    weights = jax.nn.softmax(-dists, axis=1)            # softmax over negative distances
    vecs = jnp.take(mem, idx, axis=0)                   # gather neighbor embeddings [Q, K, D_M]
    retrieved = jnp.sum(vecs * weights[..., None], axis=1)  # [Q, D_M]
    return retrieved, idx

if __name__ == "__main__":
    import jax
    _d = setup_inputs()
    print(jax.jit(kernel)(*tuple(_d.values())))

</pallas_src>

<mosaic_0001>
#map = affine_map<(d0, d1) -> (0, 0)>
#map1 = affine_map<(d0, d1) -> (0)>
module attributes {stable_mosaic.version = 14 : i64} {
  func.func @gather_kernel(%arg0: i32, %arg1: i32, %arg2: memref<100000x128xf32, #tpu.memory_space<hbm>>, %arg3: memref<10240xi32, #tpu.memory_space<hbm>>, %arg4: memref<16384xf32, #tpu.memory_space<hbm>>, %arg5: memref<1024x128xf32, #tpu.memory_space<hbm>>, %arg6: memref<4x80xi32, #tpu.memory_space<vmem>>, %arg7: memref<512xf32, #tpu.memory_space<vmem>>, %arg8: memref<4x80x128xf32, #tpu.memory_space<vmem>>, %arg9: memref<32x128xf32, #tpu.memory_space<vmem>>, %arg10: memref<!tpu.dma_semaphore, #tpu.memory_space<semaphore_mem>>) attributes {dimension_semantics = [#tpu.dimension_semantics<core_parallel>, #tpu.dimension_semantics<subcore_parallel>], iteration_bounds = array<i64: 2, 16>, scalar_prefetch = 0 : i64, scratch_operands = 5 : i64, tpu.core_type = #tpu.core_type<sc_vector_subcore>, window_params = [{transform_indices = #map}, {transform_indices = #map1}, {transform_indices = #map1}, {transform_indices = #map}]} {
    %mul3A = arith.constant 2 : i32
    %mul3A_0 = arith.muli %arg1, %mul3A : i32
    %add3A = arith.addi %mul3A_0, %arg0 : i32
    %mul3A_1 = arith.constant 320 : i32
    %mul3A_2 = arith.muli %add3A, %mul3A_1 : i32
    %add3A_3 = arith.constant 0 : i32
    %add3A_4 = arith.addi %mul3A_2, %add3A_3 : i32
    %run_scoped3A = arith.constant 0 : i32
    "tpu.region"() ({
      %run_scoped3A_123 = tpu.sem_alloc : memref<!tpu.dma_semaphore, #tpu.memory_space<semaphore_mem>>
      %dma_start3A_124 = arith.constant 0 : i32
      %dma_start3A_125 = tpu.memref_slice %arg6[%run_scoped3A, %dma_start3A_124] : memref<4x80xi32, #tpu.memory_space<vmem>> -> memref<1x80xi32, #tpu.memory_space<vmem>>
      %dma_start3A_126 = tpu.memref_squeeze %dma_start3A_125 : memref<1x80xi32, #tpu.memory_space<vmem>> -> memref<80xi32, #tpu.memory_space<vmem>>
      %dma_start3A_127 = tpu.memref_slice %arg3[%add3A_4] : memref<10240xi32, #tpu.memory_space<hbm>> -> memref<80xi32, #tpu.memory_space<hbm>>
      %dma_start3A_128 = arith.constant 0 : i32
      %dma_start3A_129 = tpu.memref_slice %arg6[%run_scoped3A, %dma_start3A_128] : memref<4x80xi32, #tpu.memory_space<vmem>> -> memref<1x80xi32, #tpu.memory_space<vmem>>
      %dma_start3A_130 = tpu.memref_squeeze %dma_start3A_129 : memref<1x80xi32, #tpu.memory_space<vmem>> -> memref<80xi32, #tpu.memory_space<vmem>>
      %dma_start3A_131 = tpu.memref_slice %arg3[%add3A_4] : memref<10240xi32, #tpu.memory_space<hbm>> -> memref<80xi32, #tpu.memory_space<hbm>>
      tpu.enqueue_dma source(%dma_start3A_131 : memref<80xi32, #tpu.memory_space<hbm>>) target(%dma_start3A_130 : memref<80xi32, #tpu.memory_space<vmem>>) target_semaphore(%run_scoped3A_123 : memref<!tpu.dma_semaphore, #tpu.memory_space<semaphore_mem>>)
      %dma_wait3A_132 = arith.constant 0 : i32
      %dma_wait3A_133 = tpu.memref_slice %arg6[%run_scoped3A, %dma_wait3A_132] : memref<4x80xi32, #tpu.memory_space<vmem>> -> memref<1x80xi32, #tpu.memory_space<vmem>>
      %dma_wait3A_134 = tpu.memref_squeeze %dma_wait3A_133 : memref<1x80xi32, #tpu.memory_space<vmem>> -> memref<80xi32, #tpu.memory_space<vmem>>
      %dma_wait3A_135 = tpu.memref_slice %arg3[%add3A_4] : memref<10240xi32, #tpu.memory_space<hbm>> -> memref<80xi32, #tpu.memory_space<hbm>>
      %dma_wait3A_136 = arith.constant 0 : i32
      %dma_wait3A_137 = tpu.memref_slice %arg6[%run_scoped3A, %dma_wait3A_136] : memref<4x80xi32, #tpu.memory_space<vmem>> -> memref<1x80xi32, #tpu.memory_space<vmem>>
      %dma_wait3A_138 = tpu.memref_squeeze %dma_wait3A_137 : memref<1x80xi32, #tpu.memory_space<vmem>> -> memref<80xi32, #tpu.memory_space<vmem>>
      %dma_wait3A_139 = tpu.memref_slice %arg3[%add3A_4] : memref<10240xi32, #tpu.memory_space<hbm>> -> memref<80xi32, #tpu.memory_space<hbm>>
      tpu.wait_dma2 semaphore(%run_scoped3A_123 : memref<!tpu.dma_semaphore, #tpu.memory_space<semaphore_mem>>) src(%dma_wait3A_139 : memref<80xi32, #tpu.memory_space<hbm>>) dst(%dma_wait3A_138 : memref<80xi32, #tpu.memory_space<vmem>>)
      tpu.yield
    }) : () -> ()
    %mul3A_5 = arith.constant 320 : i32
    %mul3A_6 = arith.muli %add3A, %mul3A_5 : i32
    %add3A_7 = arith.constant 80 : i32
    %add3A_8 = arith.addi %mul3A_6, %add3A_7 : i32
    %run_scoped3A_9 = arith.constant 1 : i32
    "tpu.region"() ({
      %run_scoped3A_123 = tpu.sem_alloc : memref<!tpu.dma_semaphore, #tpu.memory_space<semaphore_mem>>
      %dma_start3A_124 = arith.constant 0 : i32
      %dma_start3A_125 = tpu.memref_slice %arg6[%run_scoped3A_9, %dma_start3A_124] : memref<4x80xi32, #tpu.memory_space<vmem>> -> memref<1x80xi32, #tpu.memory_space<vmem>>
      %dma_start3A_126 = tpu.memref_squeeze %dma_start3A_125 : memref<1x80xi32, #tpu.memory_space<vmem>> -> memref<80xi32, #tpu.memory_space<vmem>>
      %dma_start3A_127 = tpu.memref_slice %arg3[%add3A_8] : memref<10240xi32, #tpu.memory_space<hbm>> -> memref<80xi32, #tpu.memory_space<hbm>>
      %dma_start3A_128 = arith.constant 0 : i32
      %dma_start3A_129 = tpu.memref_slice %arg6[%run_scoped3A_9, %dma_start3A_128] : memref<4x80xi32, #tpu.memory_space<vmem>> -> memref<1x80xi32, #tpu.memory_space<vmem>>
      %dma_start3A_130 = tpu.memref_squeeze %dma_start3A_129 : memref<1x80xi32, #tpu.memory_space<vmem>> -> memref<80xi32, #tpu.memory_space<vmem>>
      %dma_start3A_131 = tpu.memref_slice %arg3[%add3A_8] : memref<10240xi32, #tpu.memory_space<hbm>> -> memref<80xi32, #tpu.memory_space<hbm>>
      tpu.enqueue_dma source(%dma_start3A_131 : memref<80xi32, #tpu.memory_space<hbm>>) target(%dma_start3A_130 : memref<80xi32, #tpu.memory_space<vmem>>) target_semaphore(%run_scoped3A_123 : memref<!tpu.dma_semaphore, #tpu.memory_space<semaphore_mem>>)
      %dma_wait3A_132 = arith.constant 0 : i32
      %dma_wait3A_133 = tpu.memref_slice %arg6[%run_scoped3A_9, %dma_wait3A_132] : memref<4x80xi32, #tpu.memory_space<vmem>> -> memref<1x80xi32, #tpu.memory_space<vmem>>
      %dma_wait3A_134 = tpu.memref_squeeze %dma_wait3A_133 : memref<1x80xi32, #tpu.memory_space<vmem>> -> memref<80xi32, #tpu.memory_space<vmem>>
      %dma_wait3A_135 = tpu.memref_slice %arg3[%add3A_8] : memref<10240xi32, #tpu.memory_space<hbm>> -> memref<80xi32, #tpu.memory_space<hbm>>
      %dma_wait3A_136 = arith.constant 0 : i32
      %dma_wait3A_137 = tpu.memref_slice %arg6[%run_scoped3A_9, %dma_wait3A_136] : memref<4x80xi32, #tpu.memory_space<vmem>> -> memref<1x80xi32, #tpu.memory_space<vmem>>
      %dma_wait3A_138 = tpu.memref_squeeze %dma_wait3A_137 : memref<1x80xi32, #tpu.memory_space<vmem>> -> memref<80xi32, #tpu.memory_space<vmem>>
      %dma_wait3A_139 = tpu.memref_slice %arg3[%add3A_8] : memref<10240xi32, #tpu.memory_space<hbm>> -> memref<80xi32, #tpu.memory_space<hbm>>
      tpu.wait_dma2 semaphore(%run_scoped3A_123 : memref<!tpu.dma_semaphore, #tpu.memory_space<semaphore_mem>>) src(%dma_wait3A_139 : memref<80xi32, #tpu.memory_space<hbm>>) dst(%dma_wait3A_138 : memref<80xi32, #tpu.memory_space<vmem>>)
      tpu.yield
    }) : () -> ()
    %mul3A_10 = arith.constant 320 : i32
    %mul3A_11 = arith.muli %add3A, %mul3A_10 : i32
    %add3A_12 = arith.constant 160 : i32
    %add3A_13 = arith.addi %mul3A_11, %add3A_12 : i32
    %run_scoped3A_14 = arith.constant 2 : i32
    "tpu.region"() ({
      %run_scoped3A_123 = tpu.sem_alloc : memref<!tpu.dma_semaphore, #tpu.memory_space<semaphore_mem>>
      %dma_start3A_124 = arith.constant 0 : i32
      %dma_start3A_125 = tpu.memref_slice %arg6[%run_scoped3A_14, %dma_start3A_124] : memref<4x80xi32, #tpu.memory_space<vmem>> -> memref<1x80xi32, #tpu.memory_space<vmem>>
      %dma_start3A_126 = tpu.memref_squeeze %dma_start3A_125 : memref<1x80xi32, #tpu.memory_space<vmem>> -> memref<80xi32, #tpu.memory_space<vmem>>
      %dma_start3A_127 = tpu.memref_slice %arg3[%add3A_13] : memref<10240xi32, #tpu.memory_space<hbm>> -> memref<80xi32, #tpu.memory_space<hbm>>
      %dma_start3A_128 = arith.constant 0 : i32
      %dma_start3A_129 = tpu.memref_slice %arg6[%run_scoped3A_14, %dma_start3A_128] : memref<4x80xi32, #tpu.memory_space<vmem>> -> memref<1x80xi32, #tpu.memory_space<vmem>>
      %dma_start3A_130 = tpu.memref_squeeze %dma_start3A_129 : memref<1x80xi32, #tpu.memory_space<vmem>> -> memref<80xi32, #tpu.memory_space<vmem>>
      %dma_start3A_131 = tpu.memref_slice %arg3[%add3A_13] : memref<10240xi32, #tpu.memory_space<hbm>> -> memref<80xi32, #tpu.memory_space<hbm>>
      tpu.enqueue_dma source(%dma_start3A_131 : memref<80xi32, #tpu.memory_space<hbm>>) target(%dma_start3A_130 : memref<80xi32, #tpu.memory_space<vmem>>) target_semaphore(%run_scoped3A_123 : memref<!tpu.dma_semaphore, #tpu.memory_space<semaphore_mem>>)
      %dma_wait3A_132 = arith.constant 0 : i32
      %dma_wait3A_133 = tpu.memref_slice %arg6[%run_scoped3A_14, %dma_wait3A_132] : memref<4x80xi32, #tpu.memory_space<vmem>> -> memref<1x80xi32, #tpu.memory_space<vmem>>
      %dma_wait3A_134 = tpu.memref_squeeze %dma_wait3A_133 : memref<1x80xi32, #tpu.memory_space<vmem>> -> memref<80xi32, #tpu.memory_space<vmem>>
      %dma_wait3A_135 = tpu.memref_slice %arg3[%add3A_13] : memref<10240xi32, #tpu.memory_space<hbm>> -> memref<80xi32, #tpu.memory_space<hbm>>
      %dma_wait3A_136 = arith.constant 0 : i32
      %dma_wait3A_137 = tpu.memref_slice %arg6[%run_scoped3A_14, %dma_wait3A_136] : memref<4x80xi32, #tpu.memory_space<vmem>> -> memref<1x80xi32, #tpu.memory_space<vmem>>
      %dma_wait3A_138 = tpu.memref_squeeze %dma_wait3A_137 : memref<1x80xi32, #tpu.memory_space<vmem>> -> memref<80xi32, #tpu.memory_space<vmem>>
      %dma_wait3A_139 = tpu.memref_slice %arg3[%add3A_13] : memref<10240xi32, #tpu.memory_space<hbm>> -> memref<80xi32, #tpu.memory_space<hbm>>
      tpu.wait_dma2 semaphore(%run_scoped3A_123 : memref<!tpu.dma_semaphore, #tpu.memory_space<semaphore_mem>>) src(%dma_wait3A_139 : memref<80xi32, #tpu.memory_space<hbm>>) dst(%dma_wait3A_138 : memref<80xi32, #tpu.memory_space<vmem>>)
      tpu.yield
    }) : () -> ()
    %mul3A_15 = arith.constant 320 : i32
    %mul3A_16 = arith.muli %add3A, %mul3A_15 : i32
    %add3A_17 = arith.constant 240 : i32
    %add3A_18 = arith.addi %mul3A_16, %add3A_17 : i32
    %run_scoped3A_19 = arith.constant 3 : i32
    "tpu.region"() ({
      %run_scoped3A_123 = tpu.sem_alloc : memref<!tpu.dma_semaphore, #tpu.memory_space<semaphore_mem>>
      %dma_start3A_124 = arith.constant 0 : i32
      %dma_start3A_125 = tpu.memref_slice %arg6[%run_scoped3A_19, %dma_start3A_124] : memref<4x80xi32, #tpu.memory_space<vmem>> -> memref<1x80xi32, #tpu.memory_space<vmem>>
      %dma_start3A_126 = tpu.memref_squeeze %dma_start3A_125 : memref<1x80xi32, #tpu.memory_space<vmem>> -> memref<80xi32, #tpu.memory_space<vmem>>
      %dma_start3A_127 = tpu.memref_slice %arg3[%add3A_18] : memref<10240xi32, #tpu.memory_space<hbm>> -> memref<80xi32, #tpu.memory_space<hbm>>
      %dma_start3A_128 = arith.constant 0 : i32
      %dma_start3A_129 = tpu.memref_slice %arg6[%run_scoped3A_19, %dma_start3A_128] : memref<4x80xi32, #tpu.memory_space<vmem>> -> memref<1x80xi32, #tpu.memory_space<vmem>>
      %dma_start3A_130 = tpu.memref_squeeze %dma_start3A_129 : memref<1x80xi32, #tpu.memory_space<vmem>> -> memref<80xi32, #tpu.memory_space<vmem>>
      %dma_start3A_131 = tpu.memref_slice %arg3[%add3A_18] : memref<10240xi32, #tpu.memory_space<hbm>> -> memref<80xi32, #tpu.memory_space<hbm>>
      tpu.enqueue_dma source(%dma_start3A_131 : memref<80xi32, #tpu.memory_space<hbm>>) target(%dma_start3A_130 : memref<80xi32, #tpu.memory_space<vmem>>) target_semaphore(%run_scoped3A_123 : memref<!tpu.dma_semaphore, #tpu.memory_space<semaphore_mem>>)
      %dma_wait3A_132 = arith.constant 0 : i32
      %dma_wait3A_133 = tpu.memref_slice %arg6[%run_scoped3A_19, %dma_wait3A_132] : memref<4x80xi32, #tpu.memory_space<vmem>> -> memref<1x80xi32, #tpu.memory_space<vmem>>
      %dma_wait3A_134 = tpu.memref_squeeze %dma_wait3A_133 : memref<1x80xi32, #tpu.memory_space<vmem>> -> memref<80xi32, #tpu.memory_space<vmem>>
      %dma_wait3A_135 = tpu.memref_slice %arg3[%add3A_18] : memref<10240xi32, #tpu.memory_space<hbm>> -> memref<80xi32, #tpu.memory_space<hbm>>
      %dma_wait3A_136 = arith.constant 0 : i32
      %dma_wait3A_137 = tpu.memref_slice %arg6[%run_scoped3A_19, %dma_wait3A_136] : memref<4x80xi32, #tpu.memory_space<vmem>> -> memref<1x80xi32, #tpu.memory_space<vmem>>
      %dma_wait3A_138 = tpu.memref_squeeze %dma_wait3A_137 : memref<1x80xi32, #tpu.memory_space<vmem>> -> memref<80xi32, #tpu.memory_space<vmem>>
      %dma_wait3A_139 = tpu.memref_slice %arg3[%add3A_18] : memref<10240xi32, #tpu.memory_space<hbm>> -> memref<80xi32, #tpu.memory_space<hbm>>
      tpu.wait_dma2 semaphore(%run_scoped3A_123 : memref<!tpu.dma_semaphore, #tpu.memory_space<semaphore_mem>>) src(%dma_wait3A_139 : memref<80xi32, #tpu.memory_space<hbm>>) dst(%dma_wait3A_138 : memref<80xi32, #tpu.memory_space<vmem>>)
      tpu.yield
    }) : () -> ()
    %mul3A_20 = arith.constant 512 : i32
    %mul3A_21 = arith.muli %add3A, %mul3A_20 : i32
    "tpu.region"() ({
      %run_scoped3A_123 = tpu.sem_alloc : memref<!tpu.dma_semaphore, #tpu.memory_space<semaphore_mem>>
      %dma_start3A_124 = tpu.memref_slice %arg4[%mul3A_21] : memref<16384xf32, #tpu.memory_space<hbm>> -> memref<512xf32, #tpu.memory_space<hbm>>
      %dma_start3A_125 = tpu.memref_slice %arg4[%mul3A_21] : memref<16384xf32, #tpu.memory_space<hbm>> -> memref<512xf32, #tpu.memory_space<hbm>>
      tpu.enqueue_dma source(%dma_start3A_125 : memref<512xf32, #tpu.memory_space<hbm>>) target(%arg7 : memref<512xf32, #tpu.memory_space<vmem>>) target_semaphore(%run_scoped3A_123 : memref<!tpu.dma_semaphore, #tpu.memory_space<semaphore_mem>>)
      %dma_wait3A_126 = tpu.memref_slice %arg4[%mul3A_21] : memref<16384xf32, #tpu.memory_space<hbm>> -> memref<512xf32, #tpu.memory_space<hbm>>
      %dma_wait3A_127 = tpu.memref_slice %arg4[%mul3A_21] : memref<16384xf32, #tpu.memory_space<hbm>> -> memref<512xf32, #tpu.memory_space<hbm>>
      tpu.wait_dma2 semaphore(%run_scoped3A_123 : memref<!tpu.dma_semaphore, #tpu.memory_space<semaphore_mem>>) src(%dma_wait3A_127 : memref<512xf32, #tpu.memory_space<hbm>>) dst(%arg7 : memref<512xf32, #tpu.memory_space<vmem>>)
      tpu.yield
    }) : () -> ()
    %dma_start3A = arith.constant 0 : i32
    %dma_start3A_22 = arith.constant 0 : i32
    %dma_start3A_23 = arith.constant 0 : i32
    %dma_start3A_24 = arith.constant 0 : i32
    %dma_start3A_25 = tpu.memref_slice %arg8[%dma_start3A_22, %dma_start3A_23, %dma_start3A_24] : memref<4x80x128xf32, #tpu.memory_space<vmem>> -> memref<1x80x128xf32, #tpu.memory_space<vmem>>
    %dma_start3A_26 = tpu.memref_squeeze %dma_start3A_25 : memref<1x80x128xf32, #tpu.memory_space<vmem>> -> memref<80x128xf32, #tpu.memory_space<vmem>>
    %dma_start3A_27 = arith.constant 0 : i32
    %dma_start3A_28 = tpu.memref_slice %arg6[%dma_start3A, %dma_start3A_27] : memref<4x80xi32, #tpu.memory_space<vmem>> -> memref<1x80xi32, #tpu.memory_space<vmem>>
    %dma_start3A_29 = tpu.memref_squeeze %dma_start3A_28 : memref<1x80xi32, #tpu.memory_space<vmem>> -> memref<80xi32, #tpu.memory_space<vmem>>
    %dma_start3A_30 = arith.constant 0 : i32
    %dma_start3A_31 = arith.constant 0 : i32
    %dma_start3A_32 = tpu.memref_slice %arg2[%dma_start3A_30, %dma_start3A_31] : memref<100000x128xf32, #tpu.memory_space<hbm>> -> memref<100000x128xf32, #tpu.memory_space<hbm>>
    tpu.enqueue_indirect_dma source(%dma_start3A_32 : memref<100000x128xf32, #tpu.memory_space<hbm>>) target(%dma_start3A_26 : memref<80x128xf32, #tpu.memory_space<vmem>>) offsets(%dma_start3A_29 : memref<80xi32, #tpu.memory_space<vmem>>) semaphore(%arg10 : memref<!tpu.dma_semaphore, #tpu.memory_space<semaphore_mem>>)
    %dma_start3A_33 = arith.constant 1 : i32
    %dma_start3A_34 = arith.constant 1 : i32
    %dma_start3A_35 = arith.constant 0 : i32
    %dma_start3A_36 = arith.constant 0 : i32
    %dma_start3A_37 = tpu.memref_slice %arg8[%dma_start3A_34, %dma_start3A_35, %dma_start3A_36] : memref<4x80x128xf32, #tpu.memory_space<vmem>> -> memref<1x80x128xf32, #tpu.memory_space<vmem>>
    %dma_start3A_38 = tpu.memref_squeeze %dma_start3A_37 : memref<1x80x128xf32, #tpu.memory_space<vmem>> -> memref<80x128xf32, #tpu.memory_space<vmem>>
    %dma_start3A_39 = arith.constant 0 : i32
    %dma_start3A_40 = tpu.memref_slice %arg6[%dma_start3A_33, %dma_start3A_39] : memref<4x80xi32, #tpu.memory_space<vmem>> -> memref<1x80xi32, #tpu.memory_space<vmem>>
    %dma_start3A_41 = tpu.memref_squeeze %dma_start3A_40 : memref<1x80xi32, #tpu.memory_space<vmem>> -> memref<80xi32, #tpu.memory_space<vmem>>
    %dma_start3A_42 = arith.constant 0 : i32
    %dma_start3A_43 = arith.constant 0 : i32
    %dma_start3A_44 = tpu.memref_slice %arg2[%dma_start3A_42, %dma_start3A_43] : memref<100000x128xf32, #tpu.memory_space<hbm>> -> memref<100000x128xf32, #tpu.memory_space<hbm>>
    tpu.enqueue_indirect_dma source(%dma_start3A_44 : memref<100000x128xf32, #tpu.memory_space<hbm>>) target(%dma_start3A_38 : memref<80x128xf32, #tpu.memory_space<vmem>>) offsets(%dma_start3A_41 : memref<80xi32, #tpu.memory_space<vmem>>) semaphore(%arg10 : memref<!tpu.dma_semaphore, #tpu.memory_space<semaphore_mem>>)
    %dma_start3A_45 = arith.constant 2 : i32
    %dma_start3A_46 = arith.constant 2 : i32
    %dma_start3A_47 = arith.constant 0 : i32
    %dma_start3A_48 = arith.constant 0 : i32
    %dma_start3A_49 = tpu.memref_slice %arg8[%dma_start3A_46, %dma_start3A_47, %dma_start3A_48] : memref<4x80x128xf32, #tpu.memory_space<vmem>> -> memref<1x80x128xf32, #tpu.memory_space<vmem>>
    %dma_start3A_50 = tpu.memref_squeeze %dma_start3A_49 : memref<1x80x128xf32, #tpu.memory_space<vmem>> -> memref<80x128xf32, #tpu.memory_space<vmem>>
    %dma_start3A_51 = arith.constant 0 : i32
    %dma_start3A_52 = tpu.memref_slice %arg6[%dma_start3A_45, %dma_start3A_51] : memref<4x80xi32, #tpu.memory_space<vmem>> -> memref<1x80xi32, #tpu.memory_space<vmem>>
    %dma_start3A_53 = tpu.memref_squeeze %dma_start3A_52 : memref<1x80xi32, #tpu.memory_space<vmem>> -> memref<80xi32, #tpu.memory_space<vmem>>
    %dma_start3A_54 = arith.constant 0 : i32
    %dma_start3A_55 = arith.constant 0 : i32
    %dma_start3A_56 = tpu.memref_slice %arg2[%dma_start3A_54, %dma_start3A_55] : memref<100000x128xf32, #tpu.memory_space<hbm>> -> memref<100000x128xf32, #tpu.memory_space<hbm>>
    tpu.enqueue_indirect_dma source(%dma_start3A_56 : memref<100000x128xf32, #tpu.memory_space<hbm>>) target(%dma_start3A_50 : memref<80x128xf32, #tpu.memory_space<vmem>>) offsets(%dma_start3A_53 : memref<80xi32, #tpu.memory_space<vmem>>) semaphore(%arg10 : memref<!tpu.dma_semaphore, #tpu.memory_space<semaphore_mem>>)
    %dma_start3A_57 = arith.constant 3 : i32
    %dma_start3A_58 = arith.constant 3 : i32
    %dma_start3A_59 = arith.constant 0 : i32
    %dma_start3A_60 = arith.constant 0 : i32
    %dma_start3A_61 = tpu.memref_slice %arg8[%dma_start3A_58, %dma_start3A_59, %dma_start3A_60] : memref<4x80x128xf32, #tpu.memory_space<vmem>> -> memref<1x80x128xf32, #tpu.memory_space<vmem>>
    %dma_start3A_62 = tpu.memref_squeeze %dma_start3A_61 : memref<1x80x128xf32, #tpu.memory_space<vmem>> -> memref<80x128xf32, #tpu.memory_space<vmem>>
    %dma_start3A_63 = arith.constant 0 : i32
    %dma_start3A_64 = tpu.memref_slice %arg6[%dma_start3A_57, %dma_start3A_63] : memref<4x80xi32, #tpu.memory_space<vmem>> -> memref<1x80xi32, #tpu.memory_space<vmem>>
    %dma_start3A_65 = tpu.memref_squeeze %dma_start3A_64 : memref<1x80xi32, #tpu.memory_space<vmem>> -> memref<80xi32, #tpu.memory_space<vmem>>
    %dma_start3A_66 = arith.constant 0 : i32
    %dma_start3A_67 = arith.constant 0 : i32
    %dma_start3A_68 = tpu.memref_slice %arg2[%dma_start3A_66, %dma_start3A_67] : memref<100000x128xf32, #tpu.memory_space<hbm>> -> memref<100000x128xf32, #tpu.memory_space<hbm>>
    tpu.enqueue_indirect_dma source(%dma_start3A_68 : memref<100000x128xf32, #tpu.memory_space<hbm>>) target(%dma_start3A_62 : memref<80x128xf32, #tpu.memory_space<vmem>>) offsets(%dma_start3A_65 : memref<80xi32, #tpu.memory_space<vmem>>) semaphore(%arg10 : memref<!tpu.dma_semaphore, #tpu.memory_space<semaphore_mem>>)
    %dma_wait3A = arith.constant 0 : i32
    %dma_wait3A_69 = arith.constant 0 : i32
    %dma_wait3A_70 = arith.constant 0 : i32
    %dma_wait3A_71 = arith.constant 0 : i32
    %dma_wait3A_72 = tpu.memref_slice %arg8[%dma_wait3A_69, %dma_wait3A_70, %dma_wait3A_71] : memref<4x80x128xf32, #tpu.memory_space<vmem>> -> memref<1x80x128xf32, #tpu.memory_space<vmem>>
    %dma_wait3A_73 = tpu.memref_squeeze %dma_wait3A_72 : memref<1x80x128xf32, #tpu.memory_space<vmem>> -> memref<80x128xf32, #tpu.memory_space<vmem>>
    %dma_wait3A_74 = arith.constant 0 : i32
    %dma_wait3A_75 = tpu.memref_slice %arg6[%dma_wait3A, %dma_wait3A_74] : memref<4x80xi32, #tpu.memory_space<vmem>> -> memref<1x80xi32, #tpu.memory_space<vmem>>
    %dma_wait3A_76 = tpu.memref_squeeze %dma_wait3A_75 : memref<1x80xi32, #tpu.memory_space<vmem>> -> memref<80xi32, #tpu.memory_space<vmem>>
    %dma_wait3A_77 = arith.constant 0 : i32
    %dma_wait3A_78 = arith.constant 0 : i32
    %dma_wait3A_79 = tpu.memref_slice %arg2[%dma_wait3A_77, %dma_wait3A_78] : memref<100000x128xf32, #tpu.memory_space<hbm>> -> memref<100000x128xf32, #tpu.memory_space<hbm>>
    tpu.wait_indirect_dma semaphore(%arg10 : memref<!tpu.dma_semaphore, #tpu.memory_space<semaphore_mem>>) src(%dma_wait3A_79 : memref<100000x128xf32, #tpu.memory_space<hbm>>) dst(%dma_wait3A_73 : memref<80x128xf32, #tpu.memory_space<vmem>>)
    %dma_wait3A_80 = arith.constant 1 : i32
    %dma_wait3A_81 = arith.constant 1 : i32
    %dma_wait3A_82 = arith.constant 0 : i32
    %dma_wait3A_83 = arith.constant 0 : i32
    %dma_wait3A_84 = tpu.memref_slice %arg8[%dma_wait3A_81, %dma_wait3A_82, %dma_wait3A_83] : memref<4x80x128xf32, #tpu.memory_space<vmem>> -> memref<1x80x128xf32, #tpu.memory_space<vmem>>
    %dma_wait3A_85 = tpu.memref_squeeze %dma_wait3A_84 : memref<1x80x128xf32, #tpu.memory_space<vmem>> -> memref<80x128xf32, #tpu.memory_space<vmem>>
    %dma_wait3A_86 = arith.constant 0 : i32
    %dma_wait3A_87 = tpu.memref_slice %arg6[%dma_wait3A_80, %dma_wait3A_86] : memref<4x80xi32, #tpu.memory_space<vmem>> -> memref<1x80xi32, #tpu.memory_space<vmem>>
    %dma_wait3A_88 = tpu.memref_squeeze %dma_wait3A_87 : memref<1x80xi32, #tpu.memory_space<vmem>> -> memref<80xi32, #tpu.memory_space<vmem>>
    %dma_wait3A_89 = arith.constant 0 : i32
    %dma_wait3A_90 = arith.constant 0 : i32
    %dma_wait3A_91 = tpu.memref_slice %arg2[%dma_wait3A_89, %dma_wait3A_90] : memref<100000x128xf32, #tpu.memory_space<hbm>> -> memref<100000x128xf32, #tpu.memory_space<hbm>>
    tpu.wait_indirect_dma semaphore(%arg10 : memref<!tpu.dma_semaphore, #tpu.memory_space<semaphore_mem>>) src(%dma_wait3A_91 : memref<100000x128xf32, #tpu.memory_space<hbm>>) dst(%dma_wait3A_85 : memref<80x128xf32, #tpu.memory_space<vmem>>)
    %dma_wait3A_92 = arith.constant 2 : i32
    %dma_wait3A_93 = arith.constant 2 : i32
    %dma_wait3A_94 = arith.constant 0 : i32
    %dma_wait3A_95 = arith.constant 0 : i32
    %dma_wait3A_96 = tpu.memref_slice %arg8[%dma_wait3A_93, %dma_wait3A_94, %dma_wait3A_95] : memref<4x80x128xf32, #tpu.memory_space<vmem>> -> memref<1x80x128xf32, #tpu.memory_space<vmem>>
    %dma_wait3A_97 = tpu.memref_squeeze %dma_wait3A_96 : memref<1x80x128xf32, #tpu.memory_space<vmem>> -> memref<80x128xf32, #tpu.memory_space<vmem>>
    %dma_wait3A_98 = arith.constant 0 : i32
    %dma_wait3A_99 = tpu.memref_slice %arg6[%dma_wait3A_92, %dma_wait3A_98] : memref<4x80xi32, #tpu.memory_space<vmem>> -> memref<1x80xi32, #tpu.memory_space<vmem>>
    %dma_wait3A_100 = tpu.memref_squeeze %dma_wait3A_99 : memref<1x80xi32, #tpu.memory_space<vmem>> -> memref<80xi32, #tpu.memory_space<vmem>>
    %dma_wait3A_101 = arith.constant 0 : i32
    %dma_wait3A_102 = arith.constant 0 : i32
    %dma_wait3A_103 = tpu.memref_slice %arg2[%dma_wait3A_101, %dma_wait3A_102] : memref<100000x128xf32, #tpu.memory_space<hbm>> -> memref<100000x128xf32, #tpu.memory_space<hbm>>
    tpu.wait_indirect_dma semaphore(%arg10 : memref<!tpu.dma_semaphore, #tpu.memory_space<semaphore_mem>>) src(%dma_wait3A_103 : memref<100000x128xf32, #tpu.memory_space<hbm>>) dst(%dma_wait3A_97 : memref<80x128xf32, #tpu.memory_space<vmem>>)
    %dma_wait3A_104 = arith.constant 3 : i32
    %dma_wait3A_105 = arith.constant 3 : i32
    %dma_wait3A_106 = arith.constant 0 : i32
    %dma_wait3A_107 = arith.constant 0 : i32
    %dma_wait3A_108 = tpu.memref_slice %arg8[%dma_wait3A_105, %dma_wait3A_106, %dma_wait3A_107] : memref<4x80x128xf32, #tpu.memory_space<vmem>> -> memref<1x80x128xf32, #tpu.memory_space<vmem>>
    %dma_wait3A_109 = tpu.memref_squeeze %dma_wait3A_108 : memref<1x80x128xf32, #tpu.memory_space<vmem>> -> memref<80x128xf32, #tpu.memory_space<vmem>>
    %dma_wait3A_110 = arith.constant 0 : i32
    %dma_wait3A_111 = tpu.memref_slice %arg6[%dma_wait3A_104, %dma_wait3A_110] : memref<4x80xi32, #tpu.memory_space<vmem>> -> memref<1x80xi32, #tpu.memory_space<vmem>>
    %dma_wait3A_112 = tpu.memref_squeeze %dma_wait3A_111 : memref<1x80xi32, #tpu.memory_space<vmem>> -> memref<80xi32, #tpu.memory_space<vmem>>
    %dma_wait3A_113 = arith.constant 0 : i32
    %dma_wait3A_114 = arith.constant 0 : i32
    %dma_wait3A_115 = tpu.memref_slice %arg2[%dma_wait3A_113, %dma_wait3A_114] : memref<100000x128xf32, #tpu.memory_space<hbm>> -> memref<100000x128xf32, #tpu.memory_space<hbm>>
    tpu.wait_indirect_dma semaphore(%arg10 : memref<!tpu.dma_semaphore, #tpu.memory_space<semaphore_mem>>) src(%dma_wait3A_115 : memref<100000x128xf32, #tpu.memory_space<hbm>>) dst(%dma_wait3A_109 : memref<80x128xf32, #tpu.memory_space<vmem>>)
    %scan3A = arith.constant 0 : i32
    %scan3A_116 = arith.constant 0 : i32
    %scan3A_117 = arith.constant 32 : i32
    %scan3A_118 = arith.addi %scan3A_116, %scan3A_117 : i32
    %scan3A_119 = arith.constant 1 : i32
    scf.for %scan3A_123 = %scan3A_116 to %scan3A_118 step %scan3A_119  : i32 {
      %mul3A_124 = arith.constant 10 : i32
      %mul3A_125 = arith.muli %scan3A_123, %mul3A_124 : i32
      %mul3A_126 = arith.constant 16 : i32
      %mul3A_127 = arith.muli %scan3A_123, %mul3A_126 : i32
      %get3A = arith.index_cast %mul3A_127 : i32 to index
      %get3A_128 = tpu.vector_load %arg7[%get3A] {strides = array<i32>} : memref<512xf32, #tpu.memory_space<vmem>>, vector<16xf32>,
      %get3A_129 = vector.shape_cast %get3A_128 : vector<16xf32> to vector<16xf32>
      %broadcast_in_dim3A = arith.constant 0.000000e+00 : f32
      %broadcast_in_dim3A_130 = vector.broadcast %broadcast_in_dim3A : f32 to vector<16xf32>
      %broadcast_in_dim3A_131 = arith.constant 0.000000e+00 : f32
      %broadcast_in_dim3A_132 = vector.broadcast %broadcast_in_dim3A_131 : f32 to vector<16xf32>
      %broadcast_in_dim3A_133 = arith.constant 0.000000e+00 : f32
      %broadcast_in_dim3A_134 = vector.broadcast %broadcast_in_dim3A_133 : f32 to vector<16xf32>
      %broadcast_in_dim3A_135 = arith.constant 0.000000e+00 : f32
      %broadcast_in_dim3A_136 = vector.broadcast %broadcast_in_dim3A_135 : f32 to vector<16xf32>
      %broadcast_in_dim3A_137 = arith.constant 0.000000e+00 : f32
      %broadcast_in_dim3A_138 = vector.broadcast %broadcast_in_dim3A_137 : f32 to vector<16xf32>
      %broadcast_in_dim3A_139 = arith.constant 0.000000e+00 : f32
      %broadcast_in_dim3A_140 = vector.broadcast %broadcast_in_dim3A_139 : f32 to vector<16xf32>
      %broadcast_in_dim3A_141 = arith.constant 0.000000e+00 : f32
      %broadcast_in_dim3A_142 = vector.broadcast %broadcast_in_dim3A_141 : f32 to vector<16xf32>
      %broadcast_in_dim3A_143 = arith.constant 0.000000e+00 : f32
      %broadcast_in_dim3A_144 = vector.broadcast %broadcast_in_dim3A_143 : f32 to vector<16xf32>
      %add3A_145 = arith.constant 0 : i32
      %add3A_146 = arith.addi %mul3A_125, %add3A_145 : i32
      %jit3A = arith.constant 80 : i32
      %div3A = arith.divsi %add3A_146, %jit3A : i32
      %sign3A = arith.constant 0 : i32
      %sign3A_147 = arith.cmpi sgt, %add3A_146, %sign3A : i32
      %sign3A_148 = arith.extui %sign3A_147 : i1 to i32
      %sign3A_149 = arith.constant 0 : i32
      %sign3A_150 = arith.cmpi slt, %add3A_146, %sign3A_149 : i32
      %sign3A_151 = arith.extui %sign3A_150 : i1 to i32
      %sign3A_152 = arith.subi %sign3A_148, %sign3A_151 : i32
      %sign3A_153 = arith.constant 0 : i32
      %sign3A_154 = arith.cmpi sgt, %jit3A, %sign3A_153 : i32
      %sign3A_155 = arith.extui %sign3A_154 : i1 to i32
      %sign3A_156 = arith.constant 0 : i32
      %sign3A_157 = arith.cmpi slt, %jit3A, %sign3A_156 : i32
      %sign3A_158 = arith.extui %sign3A_157 : i1 to i32
      %sign3A_159 = arith.subi %sign3A_155, %sign3A_158 : i32
      %ne3A = arith.cmpi ne, %sign3A_152, %sign3A_159 : i32
      %rem3A = arith.remsi %add3A_146, %jit3A : i32
      %ne3A_160 = arith.constant 0 : i32
      %ne3A_161 = arith.cmpi ne, %rem3A, %ne3A_160 : i32
      %and3A = arith.andi %ne3A, %ne3A_161 : i1
      %sub3A = arith.constant 1 : i32
      %sub3A_162 = arith.subi %div3A, %sub3A : i32
      %select_n3A = arith.select %and3A, %sub3A_162, %div3A : i32
      %mul3A_163 = arith.constant 80 : i32
      %mul3A_164 = arith.muli %select_n3A, %mul3A_163 : i32
      %sub3A_165 = arith.subi %add3A_146, %mul3A_164 : i32
      %slice3A = vector.extract_strided_slice %get3A_129 {offsets = [0], sizes = [1], strides = [1]} : vector<16xf32> to vector<1xf32>
      %squeeze3A = vector.extract %slice3A[0] : f32 from vector<1xf32>
      %get3A_166 = arith.index_cast %select_n3A : i32 to index
      %get3A_167 = arith.index_cast %sub3A_165 : i32 to index
      %get3A_168 = arith.constant 0 : index
      %get3A_169 = tpu.vector_load %arg8[%get3A_166, %get3A_167, %get3A_168] {strides = array<i32>} : memref<4x80x128xf32, #tpu.memory_space<vmem>>, vector<1x1x16xf32>,
      %get3A_170 = vector.shape_cast %get3A_169 : vector<1x1x16xf32> to vector<16xf32>
      %mul3A_171 = vector.broadcast %squeeze3A : f32 to vector<16xf32>
      %mul3A_172 = arith.mulf %mul3A_171, %get3A_170 : vector<16xf32>
      %add3A_173 = arith.addf %broadcast_in_dim3A_130, %mul3A_172 : vector<16xf32>
      %get3A_174 = arith.index_cast %select_n3A : i32 to index
      %get3A_175 = arith.index_cast %sub3A_165 : i32 to index
      %get3A_176 = arith.constant 16 : index
      %get3A_177 = tpu.vector_load %arg8[%get3A_174, %get3A_175, %get3A_176] {strides = array<i32>} : memref<4x80x128xf32, #tpu.memory_space<vmem>>, vector<1x1x16xf32>,
      %get3A_178 = vector.shape_cast %get3A_177 : vector<1x1x16xf32> to vector<16xf32>
      %mul3A_179 = vector.broadcast %squeeze3A : f32 to vector<16xf32>
      %mul3A_180 = arith.mulf %mul3A_179, %get3A_178 : vector<16xf32>
      %add3A_181 = arith.addf %broadcast_in_dim3A_132, %mul3A_180 : vector<16xf32>
      %get3A_182 = arith.index_cast %select_n3A : i32 to index
      %get3A_183 = arith.index_cast %sub3A_165 : i32 to index
      %get3A_184 = arith.constant 32 : index
      %get3A_185 = tpu.vector_load %arg8[%get3A_182, %get3A_183, %get3A_184] {strides = array<i32>} : memref<4x80x128xf32, #tpu.memory_space<vmem>>, vector<1x1x16xf32>,
      %get3A_186 = vector.shape_cast %get3A_185 : vector<1x1x16xf32> to vector<16xf32>
      %mul3A_187 = vector.broadcast %squeeze3A : f32 to vector<16xf32>
      %mul3A_188 = arith.mulf %mul3A_187, %get3A_186 : vector<16xf32>
      %add3A_189 = arith.addf %broadcast_in_dim3A_134, %mul3A_188 : vector<16xf32>
      %get3A_190 = arith.index_cast %select_n3A : i32 to index
      %get3A_191 = arith.index_cast %sub3A_165 : i32 to index
      %get3A_192 = arith.constant 48 : index
      %get3A_193 = tpu.vector_load %arg8[%get3A_190, %get3A_191, %get3A_192] {strides = array<i32>} : memref<4x80x128xf32, #tpu.memory_space<vmem>>, vector<1x1x16xf32>,
      %get3A_194 = vector.shape_cast %get3A_193 : vector<1x1x16xf32> to vector<16xf32>
      %mul3A_195 = vector.broadcast %squeeze3A : f32 to vector<16xf32>
      %mul3A_196 = arith.mulf %mul3A_195, %get3A_194 : vector<16xf32>
      %add3A_197 = arith.addf %broadcast_in_dim3A_136, %mul3A_196 : vector<16xf32>
      %get3A_198 = arith.index_cast %select_n3A : i32 to index
      %get3A_199 = arith.index_cast %sub3A_165 : i32 to index
      %get3A_200 = arith.constant 64 : index
      %get3A_201 = tpu.vector_load %arg8[%get3A_198, %get3A_199, %get3A_200] {strides = array<i32>} : memref<4x80x128xf32, #tpu.memory_space<vmem>>, vector<1x1x16xf32>,
      %get3A_202 = vector.shape_cast %get3A_201 : vector<1x1x16xf32> to vector<16xf32>
      %mul3A_203 = vector.broadcast %squeeze3A : f32 to vector<16xf32>
      %mul3A_204 = arith.mulf %mul3A_203, %get3A_202 : vector<16xf32>
      %add3A_205 = arith.addf %broadcast_in_dim3A_138, %mul3A_204 : vector<16xf32>
      %get3A_206 = arith.index_cast %select_n3A : i32 to index
      %get3A_207 = arith.index_cast %sub3A_165 : i32 to index
      %get3A_208 = arith.constant 80 : index
      %get3A_209 = tpu.vector_load %arg8[%get3A_206, %get3A_207, %get3A_208] {strides = array<i32>} : memref<4x80x128xf32, #tpu.memory_space<vmem>>, vector<1x1x16xf32>,
      %get3A_210 = vector.shape_cast %get3A_209 : vector<1x1x16xf32> to vector<16xf32>
      %mul3A_211 = vector.broadcast %squeeze3A : f32 to vector<16xf32>
      %mul3A_212 = arith.mulf %mul3A_211, %get3A_210 : vector<16xf32>
      %add3A_213 = arith.addf %broadcast_in_dim3A_140, %mul3A_212 : vector<16xf32>
      %get3A_214 = arith.index_cast %select_n3A : i32 to index
      %get3A_215 = arith.index_cast %sub3A_165 : i32 to index
      %get3A_216 = arith.constant 96 : index
      %get3A_217 = tpu.vector_load %arg8[%get3A_214, %get3A_215, %get3A_216] {strides = array<i32>} : memref<4x80x128xf32, #tpu.memory_space<vmem>>, vector<1x1x16xf32>,
      %get3A_218 = vector.shape_cast %get3A_217 : vector<1x1x16xf32> to vector<16xf32>
      %mul3A_219 = vector.broadcast %squeeze3A : f32 to vector<16xf32>
      %mul3A_220 = arith.mulf %mul3A_219, %get3A_218 : vector<16xf32>
      %add3A_221 = arith.addf %broadcast_in_dim3A_142, %mul3A_220 : vector<16xf32>
      %get3A_222 = arith.index_cast %select_n3A : i32 to index
      %get3A_223 = arith.index_cast %sub3A_165 : i32 to index
      %get3A_224 = arith.constant 112 : index
      %get3A_225 = tpu.vector_load %arg8[%get3A_222, %get3A_223, %get3A_224] {strides = array<i32>} : memref<4x80x128xf32, #tpu.memory_space<vmem>>, vector<1x1x16xf32>,
      %get3A_226 = vector.shape_cast %get3A_225 : vector<1x1x16xf32> to vector<16xf32>
      %mul3A_227 = vector.broadcast %squeeze3A : f32 to vector<16xf32>
      %mul3A_228 = arith.mulf %mul3A_227, %get3A_226 : vector<16xf32>
      %add3A_229 = arith.addf %broadcast_in_dim3A_144, %mul3A_228 : vector<16xf32>
      %add3A_230 = arith.constant 1 : i32
      %add3A_231 = arith.addi %mul3A_125, %add3A_230 : i32
      %jit3A_232 = arith.constant 80 : i32
      %div3A_233 = arith.divsi %add3A_231, %jit3A_232 : i32
      %sign3A_234 = arith.constant 0 : i32
      %sign3A_235 = arith.cmpi sgt, %add3A_231, %sign3A_234 : i32
      %sign3A_236 = arith.extui %sign3A_235 : i1 to i32
      %sign3A_237 = arith.constant 0 : i32
      %sign3A_238 = arith.cmpi slt, %add3A_231, %sign3A_237 : i32
      %sign3A_239 = arith.extui %sign3A_238 : i1 to i32
      %sign3A_240 = arith.subi %sign3A_236, %sign3A_239 : i32
      %sign3A_241 = arith.constant 0 : i32
      %sign3A_242 = arith.cmpi sgt, %jit3A_232, %sign3A_241 : i32
      %sign3A_243 = arith.extui %sign3A_242 : i1 to i32
      %sign3A_244 = arith.constant 0 : i32
      %sign3A_245 = arith.cmpi slt, %jit3A_232, %sign3A_244 : i32
      %sign3A_246 = arith.extui %sign3A_245 : i1 to i32
      %sign3A_247 = arith.subi %sign3A_243, %sign3A_246 : i32
      %ne3A_248 = arith.cmpi ne, %sign3A_240, %sign3A_247 : i32
      %rem3A_249 = arith.remsi %add3A_231, %jit3A_232 : i32
      %ne3A_250 = arith.constant 0 : i32
      %ne3A_251 = arith.cmpi ne, %rem3A_249, %ne3A_250 : i32
      %and3A_252 = arith.andi %ne3A_248, %ne3A_251 : i1
      %sub3A_253 = arith.constant 1 : i32
      %sub3A_254 = arith.subi %div3A_233, %sub3A_253 : i32
      %select_n3A_255 = arith.select %and3A_252, %sub3A_254, %div3A_233 : i32
      %mul3A_256 = arith.constant 80 : i32
      %mul3A_257 = arith.muli %select_n3A_255, %mul3A_256 : i32
      %sub3A_258 = arith.subi %add3A_231, %mul3A_257 : i32
      %slice3A_259 = vector.extract_strided_slice %get3A_129 {offsets = [1], sizes = [1], strides = [1]} : vector<16xf32> to vector<1xf32>
      %squeeze3A_260 = vector.extract %slice3A_259[0] : f32 from vector<1xf32>
      %get3A_261 = arith.index_cast %select_n3A_255 : i32 to index
      %get3A_262 = arith.index_cast %sub3A_258 : i32 to index
      %get3A_263 = arith.constant 0 : index
      %get3A_264 = tpu.vector_load %arg8[%get3A_261, %get3A_262, %get3A_263] {strides = array<i32>} : memref<4x80x128xf32, #tpu.memory_space<vmem>>, vector<1x1x16xf32>,
      %get3A_265 = vector.shape_cast %get3A_264 : vector<1x1x16xf32> to vector<16xf32>
      %mul3A_266 = vector.broadcast %squeeze3A_260 : f32 to vector<16xf32>
      %mul3A_267 = arith.mulf %mul3A_266, %get3A_265 : vector<16xf32>
      %add3A_268 = arith.addf %add3A_173, %mul3A_267 : vector<16xf32>
      %get3A_269 = arith.index_cast %select_n3A_255 : i32 to index
      %get3A_270 = arith.index_cast %sub3A_258 : i32 to index
      %get3A_271 = arith.constant 16 : index
      %get3A_272 = tpu.vector_load %arg8[%get3A_269, %get3A_270, %get3A_271] {strides = array<i32>} : memref<4x80x128xf32, #tpu.memory_space<vmem>>, vector<1x1x16xf32>,
      %get3A_273 = vector.shape_cast %get3A_272 : vector<1x1x16xf32> to vector<16xf32>
      %mul3A_274 = vector.broadcast %squeeze3A_260 : f32 to vector<16xf32>
      %mul3A_275 = arith.mulf %mul3A_274, %get3A_273 : vector<16xf32>
      %add3A_276 = arith.addf %add3A_181, %mul3A_275 : vector<16xf32>
      %get3A_277 = arith.index_cast %select_n3A_255 : i32 to index
      %get3A_278 = arith.index_cast %sub3A_258 : i32 to index
      %get3A_279 = arith.constant 32 : index
      %get3A_280 = tpu.vector_load %arg8[%get3A_277, %get3A_278, %get3A_279] {strides = array<i32>} : memref<4x80x128xf32, #tpu.memory_space<vmem>>, vector<1x1x16xf32>,
      %get3A_281 = vector.shape_cast %get3A_280 : vector<1x1x16xf32> to vector<16xf32>
      %mul3A_282 = vector.broadcast %squeeze3A_260 : f32 to vector<16xf32>
      %mul3A_283 = arith.mulf %mul3A_282, %get3A_281 : vector<16xf32>
      %add3A_284 = arith.addf %add3A_189, %mul3A_283 : vector<16xf32>
      %get3A_285 = arith.index_cast %select_n3A_255 : i32 to index
      %get3A_286 = arith.index_cast %sub3A_258 : i32 to index
      %get3A_287 = arith.constant 48 : index
      %get3A_288 = tpu.vector_load %arg8[%get3A_285, %get3A_286, %get3A_287] {strides = array<i32>} : memref<4x80x128xf32, #tpu.memory_space<vmem>>, vector<1x1x16xf32>,
      %get3A_289 = vector.shape_cast %get3A_288 : vector<1x1x16xf32> to vector<16xf32>
      %mul3A_290 = vector.broadcast %squeeze3A_260 : f32 to vector<16xf32>
      %mul3A_291 = arith.mulf %mul3A_290, %get3A_289 : vector<16xf32>
      %add3A_292 = arith.addf %add3A_197, %mul3A_291 : vector<16xf32>
      %get3A_293 = arith.index_cast %select_n3A_255 : i32 to index
      %get3A_294 = arith.index_cast %sub3A_258 : i32 to index
      %get3A_295 = arith.constant 64 : index
      %get3A_296 = tpu.vector_load %arg8[%get3A_293, %get3A_294, %get3A_295] {strides = array<i32>} : memref<4x80x128xf32, #tpu.memory_space<vmem>>, vector<1x1x16xf32>,
      %get3A_297 = vector.shape_cast %get3A_296 : vector<1x1x16xf32> to vector<16xf32>
      %mul3A_298 = vector.broadcast %squeeze3A_260 : f32 to vector<16xf32>
      %mul3A_299 = arith.mulf %mul3A_298, %get3A_297 : vector<16xf32>
      %add3A_300 = arith.addf %add3A_205, %mul3A_299 : vector<16xf32>
      %get3A_301 = arith.index_cast %select_n3A_255 : i32 to index
      %get3A_302 = arith.index_cast %sub3A_258 : i32 to index
      %get3A_303 = arith.constant 80 : index
      %get3A_304 = tpu.vector_load %arg8[%get3A_301, %get3A_302, %get3A_303] {strides = array<i32>} : memref<4x80x128xf32, #tpu.memory_space<vmem>>, vector<1x1x16xf32>,
      %get3A_305 = vector.shape_cast %get3A_304 : vector<1x1x16xf32> to vector<16xf32>
      %mul3A_306 = vector.broadcast %squeeze3A_260 : f32 to vector<16xf32>
      %mul3A_307 = arith.mulf %mul3A_306, %get3A_305 : vector<16xf32>
      %add3A_308 = arith.addf %add3A_213, %mul3A_307 : vector<16xf32>
      %get3A_309 = arith.index_cast %select_n3A_255 : i32 to index
      %get3A_310 = arith.index_cast %sub3A_258 : i32 to index
      %get3A_311 = arith.constant 96 : index
      %get3A_312 = tpu.vector_load %arg8[%get3A_309, %get3A_310, %get3A_311] {strides = array<i32>} : memref<4x80x128xf32, #tpu.memory_space<vmem>>, vector<1x1x16xf32>,
      %get3A_313 = vector.shape_cast %get3A_312 : vector<1x1x16xf32> to vector<16xf32>
      %mul3A_314 = vector.broadcast %squeeze3A_260 : f32 to vector<16xf32>
      %mul3A_315 = arith.mulf %mul3A_314, %get3A_313 : vector<16xf32>
      %add3A_316 = arith.addf %add3A_221, %mul3A_315 : vector<16xf32>
      %get3A_317 = arith.index_cast %select_n3A_255 : i32 to index
      %get3A_318 = arith.index_cast %sub3A_258 : i32 to index
      %get3A_319 = arith.constant 112 : index
      %get3A_320 = tpu.vector_load %arg8[%get3A_317, %get3A_318, %get3A_319] {strides = array<i32>} : memref<4x80x128xf32, #tpu.memory_space<vmem>>, vector<1x1x16xf32>,
      %get3A_321 = vector.shape_cast %get3A_320 : vector<1x1x16xf32> to vector<16xf32>
      %mul3A_322 = vector.broadcast %squeeze3A_260 : f32 to vector<16xf32>
      %mul3A_323 = arith.mulf %mul3A_322, %get3A_321 : vector<16xf32>
      %add3A_324 = arith.addf %add3A_229, %mul3A_323 : vector<16xf32>
      %add3A_325 = arith.constant 2 : i32
      %add3A_326 = arith.addi %mul3A_125, %add3A_325 : i32
      %jit3A_327 = arith.constant 80 : i32
      %div3A_328 = arith.divsi %add3A_326, %jit3A_327 : i32
      %sign3A_329 = arith.constant 0 : i32
      %sign3A_330 = arith.cmpi sgt, %add3A_326, %sign3A_329 : i32
      %sign3A_331 = arith.extui %sign3A_330 : i1 to i32
      %sign3A_332 = arith.constant 0 : i32
      %sign3A_333 = arith.cmpi slt, %add3A_326, %sign3A_332 : i32
      %sign3A_334 = arith.extui %sign3A_333 : i1 to i32
      %sign3A_335 = arith.subi %sign3A_331, %sign3A_334 : i32
      %sign3A_336 = arith.constant 0 : i32
      %sign3A_337 = arith.cmpi sgt, %jit3A_327, %sign3A_336 : i32
      %sign3A_338 = arith.extui %sign3A_337 : i1 to i32
      %sign3A_339 = arith.constant 0 : i32
      %sign3A_340 = arith.cmpi slt, %jit3A_327, %sign3A_339 : i32
      %sign3A_341 = arith.extui %sign3A_340 : i1 to i32
      %sign3A_342 = arith.subi %sign3A_338, %sign3A_341 : i32
      %ne3A_343 = arith.cmpi ne, %sign3A_335, %sign3A_342 : i32
      %rem3A_344 = arith.remsi %add3A_326, %jit3A_327 : i32
      %ne3A_345 = arith.constant 0 : i32
      %ne3A_346 = arith.cmpi ne, %rem3A_344, %ne3A_345 : i32
      %and3A_347 = arith.andi %ne3A_343, %ne3A_346 : i1
      %sub3A_348 = arith.constant 1 : i32
      %sub3A_349 = arith.subi %div3A_328, %sub3A_348 : i32
      %select_n3A_350 = arith.select %and3A_347, %sub3A_349, %div3A_328 : i32
      %mul3A_351 = arith.constant 80 : i32
      %mul3A_352 = arith.muli %select_n3A_350, %mul3A_351 : i32
      %sub3A_353 = arith.subi %add3A_326, %mul3A_352 : i32
      %slice3A_354 = vector.extract_strided_slice %get3A_129 {offsets = [2], sizes = [1], strides = [1]} : vector<16xf32> to vector<1xf32>
      %squeeze3A_355 = vector.extract %slice3A_354[0] : f32 from vector<1xf32>
      %get3A_356 = arith.index_cast %select_n3A_350 : i32 to index
      %get3A_357 = arith.index_cast %sub3A_353 : i32 to index
      %get3A_358 = arith.constant 0 : index
      %get3A_359 = tpu.vector_load %arg8[%get3A_356, %get3A_357, %get3A_358] {strides = array<i32>} : memref<4x80x128xf32, #tpu.memory_space<vmem>>, vector<1x1x16xf32>,
      %get3A_360 = vector.shape_cast %get3A_359 : vector<1x1x16xf32> to vector<16xf32>
      %mul3A_361 = vector.broadcast %squeeze3A_355 : f32 to vector<16xf32>
      %mul3A_362 = arith.mulf %mul3A_361, %get3A_360 : vector<16xf32>
      %add3A_363 = arith.addf %add3A_268, %mul3A_362 : vector<16xf32>
      %get3A_364 = arith.index_cast %select_n3A_350 : i32 to index
      %get3A_365 = arith.index_cast %sub3A_353 : i32 to index
      %get3A_366 = arith.constant 16 : index
      %get3A_367 = tpu.vector_load %arg8[%get3A_364, %get3A_365, %get3A_366] {strides = array<i32>} : memref<4x80x128xf32, #tpu.memory_space<vmem>>, vector<1x1x16xf32>,
      %get3A_368 = vector.shape_cast %get3A_367 : vector<1x1x16xf32> to vector<16xf32>
      %mul3A_369 = vector.broadcast %squeeze3A_355 : f32 to vector<16xf32>
      %mul3A_370 = arith.mulf %mul3A_369, %get3A_368 : vector<16xf32>
      %add3A_371 = arith.addf %add3A_276, %mul3A_370 : vector<16xf32>
      %get3A_372 = arith.index_cast %select_n3A_350 : i32 to index
      %get3A_373 = arith.index_cast %sub3A_353 : i32 to index
      %get3A_374 = arith.constant 32 : index
      %get3A_375 = tpu.vector_load %arg8[%get3A_372, %get3A_373, %get3A_374] {strides = array<i32>} : memref<4x80x128xf32, #tpu.memory_space<vmem>>, vector<1x1x16xf32>,
      %get3A_376 = vector.shape_cast %get3A_375 : vector<1x1x16xf32> to vector<16xf32>
      %mul3A_377 = vector.broadcast %squeeze3A_355 : f32 to vector<16xf32>
      %mul3A_378 = arith.mulf %mul3A_377, %get3A_376 : vector<16xf32>
      %add3A_379 = arith.addf %add3A_284, %mul3A_378 : vector<16xf32>
      %get3A_380 = arith.index_cast %select_n3A_350 : i32 to index
      %get3A_381 = arith.index_cast %sub3A_353 : i32 to index
      %get3A_382 = arith.constant 48 : index
      %get3A_383 = tpu.vector_load %arg8[%get3A_380, %get3A_381, %get3A_382] {strides = array<i32>} : memref<4x80x128xf32, #tpu.memory_space<vmem>>, vector<1x1x16xf32>,
      %get3A_384 = vector.shape_cast %get3A_383 : vector<1x1x16xf32> to vector<16xf32>
      %mul3A_385 = vector.broadcast %squeeze3A_355 : f32 to vector<16xf32>
      %mul3A_386 = arith.mulf %mul3A_385, %get3A_384 : vector<16xf32>
      %add3A_387 = arith.addf %add3A_292, %mul3A_386 : vector<16xf32>
      %get3A_388 = arith.index_cast %select_n3A_350 : i32 to index
      %get3A_389 = arith.index_cast %sub3A_353 : i32 to index
      %get3A_390 = arith.constant 64 : index
      %get3A_391 = tpu.vector_load %arg8[%get3A_388, %get3A_389, %get3A_390] {strides = array<i32>} : memref<4x80x128xf32, #tpu.memory_space<vmem>>, vector<1x1x16xf32>,
      %get3A_392 = vector.shape_cast %get3A_391 : vector<1x1x16xf32> to vector<16xf32>
      %mul3A_393 = vector.broadcast %squeeze3A_355 : f32 to vector<16xf32>
      %mul3A_394 = arith.mulf %mul3A_393, %get3A_392 : vector<16xf32>
      %add3A_395 = arith.addf %add3A_300, %mul3A_394 : vector<16xf32>
      %get3A_396 = arith.index_cast %select_n3A_350 : i32 to index
      %get3A_397 = arith.index_cast %sub3A_353 : i32 to index
      %get3A_398 = arith.constant 80 : index
      %get3A_399 = tpu.vector_load %arg8[%get3A_396, %get3A_397, %get3A_398] {strides = array<i32>} : memref<4x80x128xf32, #tpu.memory_space<vmem>>, vector<1x1x16xf32>,
      %get3A_400 = vector.shape_cast %get3A_399 : vector<1x1x16xf32> to vector<16xf32>
      %mul3A_401 = vector.broadcast %squeeze3A_355 : f32 to vector<16xf32>
      %mul3A_402 = arith.mulf %mul3A_401, %get3A_400 : vector<16xf32>
      %add3A_403 = arith.addf %add3A_308, %mul3A_402 : vector<16xf32>
      %get3A_404 = arith.index_cast %select_n3A_350 : i32 to index
      %get3A_405 = arith.index_cast %sub3A_353 : i32 to index
      %get3A_406 = arith.constant 96 : index
      %get3A_407 = tpu.vector_load %arg8[%get3A_404, %get3A_405, %get3A_406] {strides = array<i32>} : memref<4x80x128xf32, #tpu.memory_space<vmem>>, vector<1x1x16xf32>,
      %get3A_408 = vector.shape_cast %get3A_407 : vector<1x1x16xf32> to vector<16xf32>
      %mul3A_409 = vector.broadcast %squeeze3A_355 : f32 to vector<16xf32>
      %mul3A_410 = arith.mulf %mul3A_409, %get3A_408 : vector<16xf32>
      %add3A_411 = arith.addf %add3A_316, %mul3A_410 : vector<16xf32>
      %get3A_412 = arith.index_cast %select_n3A_350 : i32 to index
      %get3A_413 = arith.index_cast %sub3A_353 : i32 to index
      %get3A_414 = arith.constant 112 : index
      %get3A_415 = tpu.vector_load %arg8[%get3A_412, %get3A_413, %get3A_414] {strides = array<i32>} : memref<4x80x128xf32, #tpu.memory_space<vmem>>, vector<1x1x16xf32>,
      %get3A_416 = vector.shape_cast %get3A_415 : vector<1x1x16xf32> to vector<16xf32>
      %mul3A_417 = vector.broadcast %squeeze3A_355 : f32 to vector<16xf32>
      %mul3A_418 = arith.mulf %mul3A_417, %get3A_416 : vector<16xf32>
      %add3A_419 = arith.addf %add3A_324, %mul3A_418 : vector<16xf32>
      %add3A_420 = arith.constant 3 : i32
      %add3A_421 = arith.addi %mul3A_125, %add3A_420 : i32
      %jit3A_422 = arith.constant 80 : i32
      %div3A_423 = arith.divsi %add3A_421, %jit3A_422 : i32
      %sign3A_424 = arith.constant 0 : i32
      %sign3A_425 = arith.cmpi sgt, %add3A_421, %sign3A_424 : i32
      %sign3A_426 = arith.extui %sign3A_425 : i1 to i32
      %sign3A_427 = arith.constant 0 : i32
      %sign3A_428 = arith.cmpi slt, %add3A_421, %sign3A_427 : i32
      %sign3A_429 = arith.extui %sign3A_428 : i1 to i32
      %sign3A_430 = arith.subi %sign3A_426, %sign3A_429 : i32
      %sign3A_431 = arith.constant 0 : i32
      %sign3A_432 = arith.cmpi sgt, %jit3A_422, %sign3A_431 : i32
      %sign3A_433 = arith.extui %sign3A_432 : i1 to i32
      %sign3A_434 = arith.constant 0 : i32
      %sign3A_435 = arith.cmpi slt, %jit3A_422, %sign3A_434 : i32
      %sign3A_436 = arith.extui %sign3A_435 : i1 to i32
      %sign3A_437 = arith.subi %sign3A_433, %sign3A_436 : i32
      %ne3A_438 = arith.cmpi ne, %sign3A_430, %sign3A_437 : i32
      %rem3A_439 = arith.remsi %add3A_421, %jit3A_422 : i32
      %ne3A_440 = arith.constant 0 : i32
      %ne3A_441 = arith.cmpi ne, %rem3A_439, %ne3A_440 : i32
      %and3A_442 = arith.andi %ne3A_438, %ne3A_441 : i1
      %sub3A_443 = arith.constant 1 : i32
      %sub3A_444 = arith.subi %div3A_423, %sub3A_443 : i32
      %select_n3A_445 = arith.select %and3A_442, %sub3A_444, %div3A_423 : i32
      %mul3A_446 = arith.constant 80 : i32
      %mul3A_447 = arith.muli %select_n3A_445, %mul3A_446 : i32
      %sub3A_448 = arith.subi %add3A_421, %mul3A_447 : i32
      %slice3A_449 = vector.extract_strided_slice %get3A_129 {offsets = [3], sizes = [1], strides = [1]} : vector<16xf32> to vector<1xf32>
      %squeeze3A_450 = vector.extract %slice3A_449[0] : f32 from vector<1xf32>
      %get3A_451 = arith.index_cast %select_n3A_445 : i32 to index
      %get3A_452 = arith.index_cast %sub3A_448 : i32 to index
      %get3A_453 = arith.constant 0 : index
      %get3A_454 = tpu.vector_load %arg8[%get3A_451, %get3A_452, %get3A_453] {strides = array<i32>} : memref<4x80x128xf32, #tpu.memory_space<vmem>>, vector<1x1x16xf32>,
      %get3A_455 = vector.shape_cast %get3A_454 : vector<1x1x16xf32> to vector<16xf32>
      %mul3A_456 = vector.broadcast %squeeze3A_450 : f32 to vector<16xf32>
      %mul3A_457 = arith.mulf %mul3A_456, %get3A_455 : vector<16xf32>
      %add3A_458 = arith.addf %add3A_363, %mul3A_457 : vector<16xf32>
      %get3A_459 = arith.index_cast %select_n3A_445 : i32 to index
      %get3A_460 = arith.index_cast %sub3A_448 : i32 to index
      %get3A_461 = arith.constant 16 : index
      %get3A_462 = tpu.vector_load %arg8[%get3A_459, %get3A_460, %get3A_461] {strides = array<i32>} : memref<4x80x128xf32, #tpu.memory_space<vmem>>, vector<1x1x16xf32>,
      %get3A_463 = vector.shape_cast %get3A_462 : vector<1x1x16xf32> to vector<16xf32>
      %mul3A_464 = vector.broadcast %squeeze3A_450 : f32 to vector<16xf32>
      %mul3A_465 = arith.mulf %mul3A_464, %get3A_463 : vector<16xf32>
      %add3A_466 = arith.addf %add3A_371, %mul3A_465 : vector<16xf32>
      %get3A_467 = arith.index_cast %select_n3A_445 : i32 to index
      %get3A_468 = arith.index_cast %sub3A_448 : i32 to index
      %get3A_469 = arith.constant 32 : index
      %get3A_470 = tpu.vector_load %arg8[%get3A_467, %get3A_468, %get3A_469] {strides = array<i32>} : memref<4x80x128xf32, #tpu.memory_space<vmem>>, vector<1x1x16xf32>,
      %get3A_471 = vector.shape_cast %get3A_470 : vector<1x1x16xf32> to vector<16xf32>
      %mul3A_472 = vector.broadcast %squeeze3A_450 : f32 to vector<16xf32>
      %mul3A_473 = arith.mulf %mul3A_472, %get3A_471 : vector<16xf32>
      %add3A_474 = arith.addf %add3A_379, %mul3A_473 : vector<16xf32>
      %get3A_475 = arith.index_cast %select_n3A_445 : i32 to index
      %get3A_476 = arith.index_cast %sub3A_448 : i32 to index
      %get3A_477 = arith.constant 48 : index
      %get3A_478 = tpu.vector_load %arg8[%get3A_475, %get3A_476, %get3A_477] {strides = array<i32>} : memref<4x80x128xf32, #tpu.memory_space<vmem>>, vector<1x1x16xf32>,
      %get3A_479 = vector.shape_cast %get3A_478 : vector<1x1x16xf32> to vector<16xf32>
      %mul3A_480 = vector.broadcast %squeeze3A_450 : f32 to vector<16xf32>
      %mul3A_481 = arith.mulf %mul3A_480, %get3A_479 : vector<16xf32>
      %add3A_482 = arith.addf %add3A_387, %mul3A_481 : vector<16xf32>
      %get3A_483 = arith.index_cast %select_n3A_445 : i32 to index
      %get3A_484 = arith.index_cast %sub3A_448 : i32 to index
      %get3A_485 = arith.constant 64 : index
      %get3A_486 = tpu.vector_load %arg8[%get3A_483, %get3A_484, %get3A_485] {strides = array<i32>} : memref<4x80x128xf32, #tpu.memory_space<vmem>>, vector<1x1x16xf32>,
      %get3A_487 = vector.shape_cast %get3A_486 : vector<1x1x16xf32> to vector<16xf32>
      %mul3A_488 = vector.broadcast %squeeze3A_450 : f32 to vector<16xf32>
      %mul3A_489 = arith.mulf %mul3A_488, %get3A_487 : vector<16xf32>
      %add3A_490 = arith.addf %add3A_395, %mul3A_489 : vector<16xf32>
      %get3A_491 = arith.index_cast %select_n3A_445 : i32 to index
      %get3A_492 = arith.index_cast %sub3A_448 : i32 to index
      %get3A_493 = arith.constant 80 : index
      %get3A_494 = tpu.vector_load %arg8[%get3A_491, %get3A_492, %get3A_493] {strides = array<i32>} : memref<4x80x128xf32, #tpu.memory_space<vmem>>, vector<1x1x16xf32>,
      %get3A_495 = vector.shape_cast %get3A_494 : vector<1x1x16xf32> to vector<16xf32>
      %mul3A_496 = vector.broadcast %squeeze3A_450 : f32 to vector<16xf32>
      %mul3A_497 = arith.mulf %mul3A_496, %get3A_495 : vector<16xf32>
      %add3A_498 = arith.addf %add3A_403, %mul3A_497 : vector<16xf32>
      %get3A_499 = arith.index_cast %select_n3A_445 : i32 to index
      %get3A_500 = arith.index_cast %sub3A_448 : i32 to index
      %get3A_501 = arith.constant 96 : index
      %get3A_502 = tpu.vector_load %arg8[%get3A_499, %get3A_500, %get3A_501] {strides = array<i32>} : memref<4x80x128xf32, #tpu.memory_space<vmem>>, vector<1x1x16xf32>,
      %get3A_503 = vector.shape_cast %get3A_502 : vector<1x1x16xf32> to vector<16xf32>
      %mul3A_504 = vector.broadcast %squeeze3A_450 : f32 to vector<16xf32>
      %mul3A_505 = arith.mulf %mul3A_504, %get3A_503 : vector<16xf32>
      %add3A_506 = arith.addf %add3A_411, %mul3A_505 : vector<16xf32>
      %get3A_507 = arith.index_cast %select_n3A_445 : i32 to index
      %get3A_508 = arith.index_cast %sub3A_448 : i32 to index
      %get3A_509 = arith.constant 112 : index
      %get3A_510 = tpu.vector_load %arg8[%get3A_507, %get3A_508, %get3A_509] {strides = array<i32>} : memref<4x80x128xf32, #tpu.memory_space<vmem>>, vector<1x1x16xf32>,
      %get3A_511 = vector.shape_cast %get3A_510 : vector<1x1x16xf32> to vector<16xf32>
      %mul3A_512 = vector.broadcast %squeeze3A_450 : f32 to vector<16xf32>
      %mul3A_513 = arith.mulf %mul3A_512, %get3A_511 : vector<16xf32>
      %add3A_514 = arith.addf %add3A_419, %mul3A_513 : vector<16xf32>
      %add3A_515 = arith.constant 4 : i32
      %add3A_516 = arith.addi %mul3A_125, %add3A_515 : i32
      %jit3A_517 = arith.constant 80 : i32
      %div3A_518 = arith.divsi %add3A_516, %jit3A_517 : i32
      %sign3A_519 = arith.constant 0 : i32
      %sign3A_520 = arith.cmpi sgt, %add3A_516, %sign3A_519 : i32
      %sign3A_521 = arith.extui %sign3A_520 : i1 to i32
      %sign3A_522 = arith.constant 0 : i32
      %sign3A_523 = arith.cmpi slt, %add3A_516, %sign3A_522 : i32
      %sign3A_524 = arith.extui %sign3A_523 : i1 to i32
      %sign3A_525 = arith.subi %sign3A_521, %sign3A_524 : i32
      %sign3A_526 = arith.constant 0 : i32
      %sign3A_527 = arith.cmpi sgt, %jit3A_517, %sign3A_526 : i32
      %sign3A_528 = arith.extui %sign3A_527 : i1 to i32
      %sign3A_529 = arith.constant 0 : i32
      %sign3A_530 = arith.cmpi slt, %jit3A_517, %sign3A_529 : i32
      %sign3A_531 = arith.extui %sign3A_530 : i1 to i32
      %sign3A_532 = arith.subi %sign3A_528, %sign3A_531 : i32
      %ne3A_533 = arith.cmpi ne, %sign3A_525, %sign3A_532 : i32
      %rem3A_534 = arith.remsi %add3A_516, %jit3A_517 : i32
      %ne3A_535 = arith.constant 0 : i32
      %ne3A_536 = arith.cmpi ne, %rem3A_534, %ne3A_535 : i32
      %and3A_537 = arith.andi %ne3A_533, %ne3A_536 : i1
      %sub3A_538 = arith.constant 1 : i32
      %sub3A_539 = arith.subi %div3A_518, %sub3A_538 : i32
      %select_n3A_540 = arith.select %and3A_537, %sub3A_539, %div3A_518 : i32
      %mul3A_541 = arith.constant 80 : i32
      %mul3A_542 = arith.muli %select_n3A_540, %mul3A_541 : i32
      %sub3A_543 = arith.subi %add3A_516, %mul3A_542 : i32
      %slice3A_544 = vector.extract_strided_slice %get3A_129 {offsets = [4], sizes = [1], strides = [1]} : vector<16xf32> to vector<1xf32>
      %squeeze3A_545 = vector.extract %slice3A_544[0] : f32 from vector<1xf32>
      %get3A_546 = arith.index_cast %select_n3A_540 : i32 to index
      %get3A_547 = arith.index_cast %sub3A_543 : i32 to index
      %get3A_548 = arith.constant 0 : index
      %get3A_549 = tpu.vector_load %arg8[%get3A_546, %get3A_547, %get3A_548] {strides = array<i32>} : memref<4x80x128xf32, #tpu.memory_space<vmem>>, vector<1x1x16xf32>,
      %get3A_550 = vector.shape_cast %get3A_549 : vector<1x1x16xf32> to vector<16xf32>
      %mul3A_551 = vector.broadcast %squeeze3A_545 : f32 to vector<16xf32>
      %mul3A_552 = arith.mulf %mul3A_551, %get3A_550 : vector<16xf32>
      %add3A_553 = arith.addf %add3A_458, %mul3A_552 : vector<16xf32>
      %get3A_554 = arith.index_cast %select_n3A_540 : i32 to index
      %get3A_555 = arith.index_cast %sub3A_543 : i32 to index
      %get3A_556 = arith.constant 16 : index
      %get3A_557 = tpu.vector_load %arg8[%get3A_554, %get3A_555, %get3A_556] {strides = array<i32>} : memref<4x80x128xf32, #tpu.memory_space<vmem>>, vector<1x1x16xf32>,
      %get3A_558 = vector.shape_cast %get3A_557 : vector<1x1x16xf32> to vector<16xf32>
      %mul3A_559 = vector.broadcast %squeeze3A_545 : f32 to vector<16xf32>
      %mul3A_560 = arith.mulf %mul3A_559, %get3A_558 : vector<16xf32>
      %add3A_561 = arith.addf %add3A_466, %mul3A_560 : vector<16xf32>
      %get3A_562 = arith.index_cast %select_n3A_540 : i32 to index
      %get3A_563 = arith.index_cast %sub3A_543 : i32 to index
      %get3A_564 = arith.constant 32 : index
      %get3A_565 = tpu.vector_load %arg8[%get3A_562, %get3A_563, %get3A_564] {strides = array<i32>} : memref<4x80x128xf32, #tpu.memory_space<vmem>>, vector<1x1x16xf32>,
      %get3A_566 = vector.shape_cast %get3A_565 : vector<1x1x16xf32> to vector<16xf32>
      %mul3A_567 = vector.broadcast %squeeze3A_545 : f32 to vector<16xf32>
      %mul3A_568 = arith.mulf %mul3A_567, %get3A_566 : vector<16xf32>
      %add3A_569 = arith.addf %add3A_474, %mul3A_568 : vector<16xf32>
      %get3A_570 = arith.index_cast %select_n3A_540 : i32 to index
      %get3A_571 = arith.index_cast %sub3A_543 : i32 to index
      %get3A_572 = arith.constant 48 : index
      %get3A_573 = tpu.vector_load %arg8[%get3A_570, %get3A_571, %get3A_572] {strides = array<i32>} : memref<4x80x128xf32, #tpu.memory_space<vmem>>, vector<1x1x16xf32>,
      %get3A_574 = vector.shape_cast %get3A_573 : vector<1x1x16xf32> to vector<16xf32>
      %mul3A_575 = vector.broadcast %squeeze3A_545 : f32 to vector<16xf32>
      %mul3A_576 = arith.mulf %mul3A_575, %get3A_574 : vector<16xf32>
      %add3A_577 = arith.addf %add3A_482, %mul3A_576 : vector<16xf32>
      %get3A_578 = arith.index_cast %select_n3A_540 : i32 to index
      %get3A_579 = arith.index_cast %sub3A_543 : i32 to index
      %get3A_580 = arith.constant 64 : index
      %get3A_581 = tpu.vector_load %arg8[%get3A_578, %get3A_579, %get3A_580] {strides = array<i32>} : memref<4x80x128xf32, #tpu.memory_space<vmem>>, vector<1x1x16xf32>,
      %get3A_582 = vector.shape_cast %get3A_581 : vector<1x1x16xf32> to vector<16xf32>
      %mul3A_583 = vector.broadcast %squeeze3A_545 : f32 to vector<16xf32>
      %mul3A_584 = arith.mulf %mul3A_583, %get3A_582 : vector<16xf32>
      %add3A_585 = arith.addf %add3A_490, %mul3A_584 : vector<16xf32>
      %get3A_586 = arith.index_cast %select_n3A_540 : i32 to index
      %get3A_587 = arith.index_cast %sub3A_543 : i32 to index
      %get3A_588 = arith.constant 80 : index
      %get3A_589 = tpu.vector_load %arg8[%get3A_586, %get3A_587, %get3A_588] {strides = array<i32>} : memref<4x80x128xf32, #tpu.memory_space<vmem>>, vector<1x1x16xf32>,
      %get3A_590 = vector.shape_cast %get3A_589 : vector<1x1x16xf32> to vector<16xf32>
      %mul3A_591 = vector.broadcast %squeeze3A_545 : f32 to vector<16xf32>
      %mul3A_592 = arith.mulf %mul3A_591, %get3A_590 : vector<16xf32>
      %add3A_593 = arith.addf %add3A_498, %mul3A_592 : vector<16xf32>
      %get3A_594 = arith.index_cast %select_n3A_540 : i32 to index
      %get3A_595 = arith.index_cast %sub3A_543 : i32 to index
      %get3A_596 = arith.constant 96 : index
      %get3A_597 = tpu.vector_load %arg8[%get3A_594, %get3A_595, %get3A_596] {strides = array<i32>} : memref<4x80x128xf32, #tpu.memory_space<vmem>>, vector<1x1x16xf32>,
      %get3A_598 = vector.shape_cast %get3A_597 : vector<1x1x16xf32> to vector<16xf32>
      %mul3A_599 = vector.broadcast %squeeze3A_545 : f32 to vector<16xf32>
      %mul3A_600 = arith.mulf %mul3A_599, %get3A_598 : vector<16xf32>
      %add3A_601 = arith.addf %add3A_506, %mul3A_600 : vector<16xf32>
      %get3A_602 = arith.index_cast %select_n3A_540 : i32 to index
      %get3A_603 = arith.index_cast %sub3A_543 : i32 to index
      %get3A_604 = arith.constant 112 : index
      %get3A_605 = tpu.vector_load %arg8[%get3A_602, %get3A_603, %get3A_604] {strides = array<i32>} : memref<4x80x128xf32, #tpu.memory_space<vmem>>, vector<1x1x16xf32>,
      %get3A_606 = vector.shape_cast %get3A_605 : vector<1x1x16xf32> to vector<16xf32>
      %mul3A_607 = vector.broadcast %squeeze3A_545 : f32 to vector<16xf32>
      %mul3A_608 = arith.mulf %mul3A_607, %get3A_606 : vector<16xf32>
      %add3A_609 = arith.addf %add3A_514, %mul3A_608 : vector<16xf32>
      %add3A_610 = arith.constant 5 : i32
      %add3A_611 = arith.addi %mul3A_125, %add3A_610 : i32
      %jit3A_612 = arith.constant 80 : i32
      %div3A_613 = arith.divsi %add3A_611, %jit3A_612 : i32
      %sign3A_614 = arith.constant 0 : i32
      %sign3A_615 = arith.cmpi sgt, %add3A_611, %sign3A_614 : i32
      %sign3A_616 = arith.extui %sign3A_615 : i1 to i32
      %sign3A_617 = arith.constant 0 : i32
      %sign3A_618 = arith.cmpi slt, %add3A_611, %sign3A_617 : i32
      %sign3A_619 = arith.extui %sign3A_618 : i1 to i32
      %sign3A_620 = arith.subi %sign3A_616, %sign3A_619 : i32
      %sign3A_621 = arith.constant 0 : i32
      %sign3A_622 = arith.cmpi sgt, %jit3A_612, %sign3A_621 : i32
      %sign3A_623 = arith.extui %sign3A_622 : i1 to i32
      %sign3A_624 = arith.constant 0 : i32
      %sign3A_625 = arith.cmpi slt, %jit3A_612, %sign3A_624 : i32
      %sign3A_626 = arith.extui %sign3A_625 : i1 to i32
      %sign3A_627 = arith.subi %sign3A_623, %sign3A_626 : i32
      %ne3A_628 = arith.cmpi ne, %sign3A_620, %sign3A_627 : i32
      %rem3A_629 = arith.remsi %add3A_611, %jit3A_612 : i32
      %ne3A_630 = arith.constant 0 : i32
      %ne3A_631 = arith.cmpi ne, %rem3A_629, %ne3A_630 : i32
      %and3A_632 = arith.andi %ne3A_628, %ne3A_631 : i1
      %sub3A_633 = arith.constant 1 : i32
      %sub3A_634 = arith.subi %div3A_613, %sub3A_633 : i32
      %select_n3A_635 = arith.select %and3A_632, %sub3A_634, %div3A_613 : i32
      %mul3A_636 = arith.constant 80 : i32
      %mul3A_637 = arith.muli %select_n3A_635, %mul3A_636 : i32
      %sub3A_638 = arith.subi %add3A_611, %mul3A_637 : i32
      %slice3A_639 = vector.extract_strided_slice %get3A_129 {offsets = [5], sizes = [1], strides = [1]} : vector<16xf32> to vector<1xf32>
      %squeeze3A_640 = vector.extract %slice3A_639[0] : f32 from vector<1xf32>
      %get3A_641 = arith.index_cast %select_n3A_635 : i32 to index
      %get3A_642 = arith.index_cast %sub3A_638 : i32 to index
      %get3A_643 = arith.constant 0 : index
      %get3A_644 = tpu.vector_load %arg8[%get3A_641, %get3A_642, %get3A_643] {strides = array<i32>} : memref<4x80x128xf32, #tpu.memory_space<vmem>>, vector<1x1x16xf32>,
      %get3A_645 = vector.shape_cast %get3A_644 : vector<1x1x16xf32> to vector<16xf32>
      %mul3A_646 = vector.broadcast %squeeze3A_640 : f32 to vector<16xf32>
      %mul3A_647 = arith.mulf %mul3A_646, %get3A_645 : vector<16xf32>
      %add3A_648 = arith.addf %add3A_553, %mul3A_647 : vector<16xf32>
      %get3A_649 = arith.index_cast %select_n3A_635 : i32 to index
      %get3A_650 = arith.index_cast %sub3A_638 : i32 to index
      %get3A_651 = arith.constant 16 : index
      %get3A_652 = tpu.vector_load %arg8[%get3A_649, %get3A_650, %get3A_651] {strides = array<i32>} : memref<4x80x128xf32, #tpu.memory_space<vmem>>, vector<1x1x16xf32>,
      %get3A_653 = vector.shape_cast %get3A_652 : vector<1x1x16xf32> to vector<16xf32>
      %mul3A_654 = vector.broadcast %squeeze3A_640 : f32 to vector<16xf32>
      %mul3A_655 = arith.mulf %mul3A_654, %get3A_653 : vector<16xf32>
      %add3A_656 = arith.addf %add3A_561, %mul3A_655 : vector<16xf32>
      %get3A_657 = arith.index_cast %select_n3A_635 : i32 to index
      %get3A_658 = arith.index_cast %sub3A_638 : i32 to index
      %get3A_659 = arith.constant 32 : index
      %get3A_660 = tpu.vector_load %arg8[%get3A_657, %get3A_658, %get3A_659] {strides = array<i32>} : memref<4x80x128xf32, #tpu.memory_space<vmem>>, vector<1x1x16xf32>,
      %get3A_661 = vector.shape_cast %get3A_660 : vector<1x1x16xf32> to vector<16xf32>
      %mul3A_662 = vector.broadcast %squeeze3A_640 : f32 to vector<16xf32>
      %mul3A_663 = arith.mulf %mul3A_662, %get3A_661 : vector<16xf32>
      %add3A_664 = arith.addf %add3A_569, %mul3A_663 : vector<16xf32>
      %get3A_665 = arith.index_cast %select_n3A_635 : i32 to index
      %get3A_666 = arith.index_cast %sub3A_638 : i32 to index
      %get3A_667 = arith.constant 48 : index
      %get3A_668 = tpu.vector_load %arg8[%get3A_665, %get3A_666, %get3A_667] {strides = array<i32>} : memref<4x80x128xf32, #tpu.memory_space<vmem>>, vector<1x1x16xf32>,
      %get3A_669 = vector.shape_cast %get3A_668 : vector<1x1x16xf32> to vector<16xf32>
      %mul3A_670 = vector.broadcast %squeeze3A_640 : f32 to vector<16xf32>
      %mul3A_671 = arith.mulf %mul3A_670, %get3A_669 : vector<16xf32>
      %add3A_672 = arith.addf %add3A_577, %mul3A_671 : vector<16xf32>
      %get3A_673 = arith.index_cast %select_n3A_635 : i32 to index
      %get3A_674 = arith.index_cast %sub3A_638 : i32 to index
      %get3A_675 = arith.constant 64 : index
      %get3A_676 = tpu.vector_load %arg8[%get3A_673, %get3A_674, %get3A_675] {strides = array<i32>} : memref<4x80x128xf32, #tpu.memory_space<vmem>>, vector<1x1x16xf32>,
      %get3A_677 = vector.shape_cast %get3A_676 : vector<1x1x16xf32> to vector<16xf32>
      %mul3A_678 = vector.broadcast %squeeze3A_640 : f32 to vector<16xf32>
      %mul3A_679 = arith.mulf %mul3A_678, %get3A_677 : vector<16xf32>
      %add3A_680 = arith.addf %add3A_585, %mul3A_679 : vector<16xf32>
      %get3A_681 = arith.index_cast %select_n3A_635 : i32 to index
      %get3A_682 = arith.index_cast %sub3A_638 : i32 to index
      %get3A_683 = arith.constant 80 : index
      %get3A_684 = tpu.vector_load %arg8[%get3A_681, %get3A_682, %get3A_683] {strides = array<i32>} : memref<4x80x128xf32, #tpu.memory_space<vmem>>, vector<1x1x16xf32>,
      %get3A_685 = vector.shape_cast %get3A_684 : vector<1x1x16xf32> to vector<16xf32>
      %mul3A_686 = vector.broadcast %squeeze3A_640 : f32 to vector<16xf32>
      %mul3A_687 = arith.mulf %mul3A_686, %get3A_685 : vector<16xf32>
      %add3A_688 = arith.addf %add3A_593, %mul3A_687 : vector<16xf32>
      %get3A_689 = arith.index_cast %select_n3A_635 : i32 to index
      %get3A_690 = arith.index_cast %sub3A_638 : i32 to index
      %get3A_691 = arith.constant 96 : index
      %get3A_692 = tpu.vector_load %arg8[%get3A_689, %get3A_690, %get3A_691] {strides = array<i32>} : memref<4x80x128xf32, #tpu.memory_space<vmem>>, vector<1x1x16xf32>,
      %get3A_693 = vector.shape_cast %get3A_692 : vector<1x1x16xf32> to vector<16xf32>
      %mul3A_694 = vector.broadcast %squeeze3A_640 : f32 to vector<16xf32>
      %mul3A_695 = arith.mulf %mul3A_694, %get3A_693 : vector<16xf32>
      %add3A_696 = arith.addf %add3A_601, %mul3A_695 : vector<16xf32>
      %get3A_697 = arith.index_cast %select_n3A_635 : i32 to index
      %get3A_698 = arith.index_cast %sub3A_638 : i32 to index
      %get3A_699 = arith.constant 112 : index
      %get3A_700 = tpu.vector_load %arg8[%get3A_697, %get3A_698, %get3A_699] {strides = array<i32>} : memref<4x80x128xf32, #tpu.memory_space<vmem>>, vector<1x1x16xf32>,
      %get3A_701 = vector.shape_cast %get3A_700 : vector<1x1x16xf32> to vector<16xf32>
      %mul3A_702 = vector.broadcast %squeeze3A_640 : f32 to vector<16xf32>
      %mul3A_703 = arith.mulf %mul3A_702, %get3A_701 : vector<16xf32>
      %add3A_704 = arith.addf %add3A_609, %mul3A_703 : vector<16xf32>
      %add3A_705 = arith.constant 6 : i32
      %add3A_706 = arith.addi %mul3A_125, %add3A_705 : i32
      %jit3A_707 = arith.constant 80 : i32
      %div3A_708 = arith.divsi %add3A_706, %jit3A_707 : i32
      %sign3A_709 = arith.constant 0 : i32
      %sign3A_710 = arith.cmpi sgt, %add3A_706, %sign3A_709 : i32
      %sign3A_711 = arith.extui %sign3A_710 : i1 to i32
      %sign3A_712 = arith.constant 0 : i32
      %sign3A_713 = arith.cmpi slt, %add3A_706, %sign3A_712 : i32
      %sign3A_714 = arith.extui %sign3A_713 : i1 to i32
      %sign3A_715 = arith.subi %sign3A_711, %sign3A_714 : i32
      %sign3A_716 = arith.constant 0 : i32
      %sign3A_717 = arith.cmpi sgt, %jit3A_707, %sign3A_716 : i32
      %sign3A_718 = arith.extui %sign3A_717 : i1 to i32
      %sign3A_719 = arith.constant 0 : i32
      %sign3A_720 = arith.cmpi slt, %jit3A_707, %sign3A_719 : i32
      %sign3A_721 = arith.extui %sign3A_720 : i1 to i32
      %sign3A_722 = arith.subi %sign3A_718, %sign3A_721 : i32
      %ne3A_723 = arith.cmpi ne, %sign3A_715, %sign3A_722 : i32
      %rem3A_724 = arith.remsi %add3A_706, %jit3A_707 : i32
      %ne3A_725 = arith.constant 0 : i32
      %ne3A_726 = arith.cmpi ne, %rem3A_724, %ne3A_725 : i32
      %and3A_727 = arith.andi %ne3A_723, %ne3A_726 : i1
      %sub3A_728 = arith.constant 1 : i32
      %sub3A_729 = arith.subi %div3A_708, %sub3A_728 : i32
      %select_n3A_730 = arith.select %and3A_727, %sub3A_729, %div3A_708 : i32
      %mul3A_731 = arith.constant 80 : i32
      %mul3A_732 = arith.muli %select_n3A_730, %mul3A_731 : i32
      %sub3A_733 = arith.subi %add3A_706, %mul3A_732 : i32
      %slice3A_734 = vector.extract_strided_slice %get3A_129 {offsets = [6], sizes = [1], strides = [1]} : vector<16xf32> to vector<1xf32>
      %squeeze3A_735 = vector.extract %slice3A_734[0] : f32 from vector<1xf32>
      %get3A_736 = arith.index_cast %select_n3A_730 : i32 to index
      %get3A_737 = arith.index_cast %sub3A_733 : i32 to index
      %get3A_738 = arith.constant 0 : index
      %get3A_739 = tpu.vector_load %arg8[%get3A_736, %get3A_737, %get3A_738] {strides = array<i32>} : memref<4x80x128xf32, #tpu.memory_space<vmem>>, vector<1x1x16xf32>,
      %get3A_740 = vector.shape_cast %get3A_739 : vector<1x1x16xf32> to vector<16xf32>
      %mul3A_741 = vector.broadcast %squeeze3A_735 : f32 to vector<16xf32>
      %mul3A_742 = arith.mulf %mul3A_741, %get3A_740 : vector<16xf32>
      %add3A_743 = arith.addf %add3A_648, %mul3A_742 : vector<16xf32>
      %get3A_744 = arith.index_cast %select_n3A_730 : i32 to index
      %get3A_745 = arith.index_cast %sub3A_733 : i32 to index
      %get3A_746 = arith.constant 16 : index
      %get3A_747 = tpu.vector_load %arg8[%get3A_744, %get3A_745, %get3A_746] {strides = array<i32>} : memref<4x80x128xf32, #tpu.memory_space<vmem>>, vector<1x1x16xf32>,
      %get3A_748 = vector.shape_cast %get3A_747 : vector<1x1x16xf32> to vector<16xf32>
      %mul3A_749 = vector.broadcast %squeeze3A_735 : f32 to vector<16xf32>
      %mul3A_750 = arith.mulf %mul3A_749, %get3A_748 : vector<16xf32>
      %add3A_751 = arith.addf %add3A_656, %mul3A_750 : vector<16xf32>
      %get3A_752 = arith.index_cast %select_n3A_730 : i32 to index
      %get3A_753 = arith.index_cast %sub3A_733 : i32 to index
      %get3A_754 = arith.constant 32 : index
      %get3A_755 = tpu.vector_load %arg8[%get3A_752, %get3A_753, %get3A_754] {strides = array<i32>} : memref<4x80x128xf32, #tpu.memory_space<vmem>>, vector<1x1x16xf32>,
      %get3A_756 = vector.shape_cast %get3A_755 : vector<1x1x16xf32> to vector<16xf32>
      %mul3A_757 = vector.broadcast %squeeze3A_735 : f32 to vector<16xf32>
      %mul3A_758 = arith.mulf %mul3A_757, %get3A_756 : vector<16xf32>
      %add3A_759 = arith.addf %add3A_664, %mul3A_758 : vector<16xf32>
      %get3A_760 = arith.index_cast %select_n3A_730 : i32 to index
      %get3A_761 = arith.index_cast %sub3A_733 : i32 to index
      %get3A_762 = arith.constant 48 : index
      %get3A_763 = tpu.vector_load %arg8[%get3A_760, %get3A_761, %get3A_762] {strides = array<i32>} : memref<4x80x128xf32, #tpu.memory_space<vmem>>, vector<1x1x16xf32>,
      %get3A_764 = vector.shape_cast %get3A_763 : vector<1x1x16xf32> to vector<16xf32>
      %mul3A_765 = vector.broadcast %squeeze3A_735 : f32 to vector<16xf32>
      %mul3A_766 = arith.mulf %mul3A_765, %get3A_764 : vector<16xf32>
      %add3A_767 = arith.addf %add3A_672, %mul3A_766 : vector<16xf32>
      %get3A_768 = arith.index_cast %select_n3A_730 : i32 to index
      %get3A_769 = arith.index_cast %sub3A_733 : i32 to index
      %get3A_770 = arith.constant 64 : index
      %get3A_771 = tpu.vector_load %arg8[%get3A_768, %get3A_769, %get3A_770] {strides = array<i32>} : memref<4x80x128xf32, #tpu.memory_space<vmem>>, vector<1x1x16xf32>,
      %get3A_772 = vector.shape_cast %get3A_771 : vector<1x1x16xf32> to vector<16xf32>
      %mul3A_773 = vector.broadcast %squeeze3A_735 : f32 to vector<16xf32>
      %mul3A_774 = arith.mulf %mul3A_773, %get3A_772 : vector<16xf32>
      %add3A_775 = arith.addf %add3A_680, %mul3A_774 : vector<16xf32>
      %get3A_776 = arith.index_cast %select_n3A_730 : i32 to index
      %get3A_777 = arith.index_cast %sub3A_733 : i32 to index
      %get3A_778 = arith.constant 80 : index
      %get3A_779 = tpu.vector_load %arg8[%get3A_776, %get3A_777, %get3A_778] {strides = array<i32>} : memref<4x80x128xf32, #tpu.memory_space<vmem>>, vector<1x1x16xf32>,
      %get3A_780 = vector.shape_cast %get3A_779 : vector<1x1x16xf32> to vector<16xf32>
      %mul3A_781 = vector.broadcast %squeeze3A_735 : f32 to vector<16xf32>
      %mul3A_782 = arith.mulf %mul3A_781, %get3A_780 : vector<16xf32>
      %add3A_783 = arith.addf %add3A_688, %mul3A_782 : vector<16xf32>
      %get3A_784 = arith.index_cast %select_n3A_730 : i32 to index
      %get3A_785 = arith.index_cast %sub3A_733 : i32 to index
      %get3A_786 = arith.constant 96 : index
      %get3A_787 = tpu.vector_load %arg8[%get3A_784, %get3A_785, %get3A_786] {strides = array<i32>} : memref<4x80x128xf32, #tpu.memory_space<vmem>>, vector<1x1x16xf32>,
      %get3A_788 = vector.shape_cast %get3A_787 : vector<1x1x16xf32> to vector<16xf32>
      %mul3A_789 = vector.broadcast %squeeze3A_735 : f32 to vector<16xf32>
      %mul3A_790 = arith.mulf %mul3A_789, %get3A_788 : vector<16xf32>
      %add3A_791 = arith.addf %add3A_696, %mul3A_790 : vector<16xf32>
      %get3A_792 = arith.index_cast %select_n3A_730 : i32 to index
      %get3A_793 = arith.index_cast %sub3A_733 : i32 to index
      %get3A_794 = arith.constant 112 : index
      %get3A_795 = tpu.vector_load %arg8[%get3A_792, %get3A_793, %get3A_794] {strides = array<i32>} : memref<4x80x128xf32, #tpu.memory_space<vmem>>, vector<1x1x16xf32>,
      %get3A_796 = vector.shape_cast %get3A_795 : vector<1x1x16xf32> to vector<16xf32>
      %mul3A_797 = vector.broadcast %squeeze3A_735 : f32 to vector<16xf32>
      %mul3A_798 = arith.mulf %mul3A_797, %get3A_796 : vector<16xf32>
      %add3A_799 = arith.addf %add3A_704, %mul3A_798 : vector<16xf32>
      %add3A_800 = arith.constant 7 : i32
      %add3A_801 = arith.addi %mul3A_125, %add3A_800 : i32
      %jit3A_802 = arith.constant 80 : i32
      %div3A_803 = arith.divsi %add3A_801, %jit3A_802 : i32
      %sign3A_804 = arith.constant 0 : i32
      %sign3A_805 = arith.cmpi sgt, %add3A_801, %sign3A_804 : i32
      %sign3A_806 = arith.extui %sign3A_805 : i1 to i32
      %sign3A_807 = arith.constant 0 : i32
      %sign3A_808 = arith.cmpi slt, %add3A_801, %sign3A_807 : i32
      %sign3A_809 = arith.extui %sign3A_808 : i1 to i32
      %sign3A_810 = arith.subi %sign3A_806, %sign3A_809 : i32
      %sign3A_811 = arith.constant 0 : i32
      %sign3A_812 = arith.cmpi sgt, %jit3A_802, %sign3A_811 : i32
      %sign3A_813 = arith.extui %sign3A_812 : i1 to i32
      %sign3A_814 = arith.constant 0 : i32
      %sign3A_815 = arith.cmpi slt, %jit3A_802, %sign3A_814 : i32
      %sign3A_816 = arith.extui %sign3A_815 : i1 to i32
      %sign3A_817 = arith.subi %sign3A_813, %sign3A_816 : i32
      %ne3A_818 = arith.cmpi ne, %sign3A_810, %sign3A_817 : i32
      %rem3A_819 = arith.remsi %add3A_801, %jit3A_802 : i32
      %ne3A_820 = arith.constant 0 : i32
      %ne3A_821 = arith.cmpi ne, %rem3A_819, %ne3A_820 : i32
      %and3A_822 = arith.andi %ne3A_818, %ne3A_821 : i1
      %sub3A_823 = arith.constant 1 : i32
      %sub3A_824 = arith.subi %div3A_803, %sub3A_823 : i32
      %select_n3A_825 = arith.select %and3A_822, %sub3A_824, %div3A_803 : i32
      %mul3A_826 = arith.constant 80 : i32
      %mul3A_827 = arith.muli %select_n3A_825, %mul3A_826 : i32
      %sub3A_828 = arith.subi %add3A_801, %mul3A_827 : i32
      %slice3A_829 = vector.extract_strided_slice %get3A_129 {offsets = [7], sizes = [1], strides = [1]} : vector<16xf32> to vector<1xf32>
      %squeeze3A_830 = vector.extract %slice3A_829[0] : f32 from vector<1xf32>
      %get3A_831 = arith.index_cast %select_n3A_825 : i32 to index
      %get3A_832 = arith.index_cast %sub3A_828 : i32 to index
      %get3A_833 = arith.constant 0 : index
      %get3A_834 = tpu.vector_load %arg8[%get3A_831, %get3A_832, %get3A_833] {strides = array<i32>} : memref<4x80x128xf32, #tpu.memory_space<vmem>>, vector<1x1x16xf32>,
      %get3A_835 = vector.shape_cast %get3A_834 : vector<1x1x16xf32> to vector<16xf32>
      %mul3A_836 = vector.broadcast %squeeze3A_830 : f32 to vector<16xf32>
      %mul3A_837 = arith.mulf %mul3A_836, %get3A_835 : vector<16xf32>
      %add3A_838 = arith.addf %add3A_743, %mul3A_837 : vector<16xf32>
      %get3A_839 = arith.index_cast %select_n3A_825 : i32 to index
      %get3A_840 = arith.index_cast %sub3A_828 : i32 to index
      %get3A_841 = arith.constant 16 : index
      %get3A_842 = tpu.vector_load %arg8[%get3A_839, %get3A_840, %get3A_841] {strides = array<i32>} : memref<4x80x128xf32, #tpu.memory_space<vmem>>, vector<1x1x16xf32>,
      %get3A_843 = vector.shape_cast %get3A_842 : vector<1x1x16xf32> to vector<16xf32>
      %mul3A_844 = vector.broadcast %squeeze3A_830 : f32 to vector<16xf32>
      %mul3A_845 = arith.mulf %mul3A_844, %get3A_843 : vector<16xf32>
      %add3A_846 = arith.addf %add3A_751, %mul3A_845 : vector<16xf32>
      %get3A_847 = arith.index_cast %select_n3A_825 : i32 to index
      %get3A_848 = arith.index_cast %sub3A_828 : i32 to index
      %get3A_849 = arith.constant 32 : index
      %get3A_850 = tpu.vector_load %arg8[%get3A_847, %get3A_848, %get3A_849] {strides = array<i32>} : memref<4x80x128xf32, #tpu.memory_space<vmem>>, vector<1x1x16xf32>,
      %get3A_851 = vector.shape_cast %get3A_850 : vector<1x1x16xf32> to vector<16xf32>
      %mul3A_852 = vector.broadcast %squeeze3A_830 : f32 to vector<16xf32>
      %mul3A_853 = arith.mulf %mul3A_852, %get3A_851 : vector<16xf32>
      %add3A_854 = arith.addf %add3A_759, %mul3A_853 : vector<16xf32>
      %get3A_855 = arith.index_cast %select_n3A_825 : i32 to index
      %get3A_856 = arith.index_cast %sub3A_828 : i32 to index
      %get3A_857 = arith.constant 48 : index
      %get3A_858 = tpu.vector_load %arg8[%get3A_855, %get3A_856, %get3A_857] {strides = array<i32>} : memref<4x80x128xf32, #tpu.memory_space<vmem>>, vector<1x1x16xf32>,
      %get3A_859 = vector.shape_cast %get3A_858 : vector<1x1x16xf32> to vector<16xf32>
      %mul3A_860 = vector.broadcast %squeeze3A_830 : f32 to vector<16xf32>
      %mul3A_861 = arith.mulf %mul3A_860, %get3A_859 : vector<16xf32>
      %add3A_862 = arith.addf %add3A_767, %mul3A_861 : vector<16xf32>
      %get3A_863 = arith.index_cast %select_n3A_825 : i32 to index
      %get3A_864 = arith.index_cast %sub3A_828 : i32 to index
      %get3A_865 = arith.constant 64 : index
      %get3A_866 = tpu.vector_load %arg8[%get3A_863, %get3A_864, %get3A_865] {strides = array<i32>} : memref<4x80x128xf32, #tpu.memory_space<vmem>>, vector<1x1x16xf32>,
      %get3A_867 = vector.shape_cast %get3A_866 : vector<1x1x16xf32> to vector<16xf32>
      %mul3A_868 = vector.broadcast %squeeze3A_830 : f32 to vector<16xf32>
      %mul3A_869 = arith.mulf %mul3A_868, %get3A_867 : vector<16xf32>
      %add3A_870 = arith.addf %add3A_775, %mul3A_869 : vector<16xf32>
      %get3A_871 = arith.index_cast %select_n3A_825 : i32 to index
      %get3A_872 = arith.index_cast %sub3A_828 : i32 to index
      %get3A_873 = arith.constant 80 : index
      %get3A_874 = tpu.vector_load %arg8[%get3A_871, %get3A_872, %get3A_873] {strides = array<i32>} : memref<4x80x128xf32, #tpu.memory_space<vmem>>, vector<1x1x16xf32>,
      %get3A_875 = vector.shape_cast %get3A_874 : vector<1x1x16xf32> to vector<16xf32>
      %mul3A_876 = vector.broadcast %squeeze3A_830 : f32 to vector<16xf32>
      %mul3A_877 = arith.mulf %mul3A_876, %get3A_875 : vector<16xf32>
      %add3A_878 = arith.addf %add3A_783, %mul3A_877 : vector<16xf32>
      %get3A_879 = arith.index_cast %select_n3A_825 : i32 to index
      %get3A_880 = arith.index_cast %sub3A_828 : i32 to index
      %get3A_881 = arith.constant 96 : index
      %get3A_882 = tpu.vector_load %arg8[%get3A_879, %get3A_880, %get3A_881] {strides = array<i32>} : memref<4x80x128xf32, #tpu.memory_space<vmem>>, vector<1x1x16xf32>,
      %get3A_883 = vector.shape_cast %get3A_882 : vector<1x1x16xf32> to vector<16xf32>
      %mul3A_884 = vector.broadcast %squeeze3A_830 : f32 to vector<16xf32>
      %mul3A_885 = arith.mulf %mul3A_884, %get3A_883 : vector<16xf32>
      %add3A_886 = arith.addf %add3A_791, %mul3A_885 : vector<16xf32>
      %get3A_887 = arith.index_cast %select_n3A_825 : i32 to index
      %get3A_888 = arith.index_cast %sub3A_828 : i32 to index
      %get3A_889 = arith.constant 112 : index
      %get3A_890 = tpu.vector_load %arg8[%get3A_887, %get3A_888, %get3A_889] {strides = array<i32>} : memref<4x80x128xf32, #tpu.memory_space<vmem>>, vector<1x1x16xf32>,
      %get3A_891 = vector.shape_cast %get3A_890 : vector<1x1x16xf32> to vector<16xf32>
      %mul3A_892 = vector.broadcast %squeeze3A_830 : f32 to vector<16xf32>
      %mul3A_893 = arith.mulf %mul3A_892, %get3A_891 : vector<16xf32>
      %add3A_894 = arith.addf %add3A_799, %mul3A_893 : vector<16xf32>
      %add3A_895 = arith.constant 8 : i32
      %add3A_896 = arith.addi %mul3A_125, %add3A_895 : i32
      %jit3A_897 = arith.constant 80 : i32
      %div3A_898 = arith.divsi %add3A_896, %jit3A_897 : i32
      %sign3A_899 = arith.constant 0 : i32
      %sign3A_900 = arith.cmpi sgt, %add3A_896, %sign3A_899 : i32
      %sign3A_901 = arith.extui %sign3A_900 : i1 to i32
      %sign3A_902 = arith.constant 0 : i32
      %sign3A_903 = arith.cmpi slt, %add3A_896, %sign3A_902 : i32
      %sign3A_904 = arith.extui %sign3A_903 : i1 to i32
      %sign3A_905 = arith.subi %sign3A_901, %sign3A_904 : i32
      %sign3A_906 = arith.constant 0 : i32
      %sign3A_907 = arith.cmpi sgt, %jit3A_897, %sign3A_906 : i32
      %sign3A_908 = arith.extui %sign3A_907 : i1 to i32
      %sign3A_909 = arith.constant 0 : i32
      %sign3A_910 = arith.cmpi slt, %jit3A_897, %sign3A_909 : i32
      %sign3A_911 = arith.extui %sign3A_910 : i1 to i32
      %sign3A_912 = arith.subi %sign3A_908, %sign3A_911 : i32
      %ne3A_913 = arith.cmpi ne, %sign3A_905, %sign3A_912 : i32
      %rem3A_914 = arith.remsi %add3A_896, %jit3A_897 : i32
      %ne3A_915 = arith.constant 0 : i32
      %ne3A_916 = arith.cmpi ne, %rem3A_914, %ne3A_915 : i32
      %and3A_917 = arith.andi %ne3A_913, %ne3A_916 : i1
      %sub3A_918 = arith.constant 1 : i32
      %sub3A_919 = arith.subi %div3A_898, %sub3A_918 : i32
      %select_n3A_920 = arith.select %and3A_917, %sub3A_919, %div3A_898 : i32
      %mul3A_921 = arith.constant 80 : i32
      %mul3A_922 = arith.muli %select_n3A_920, %mul3A_921 : i32
      %sub3A_923 = arith.subi %add3A_896, %mul3A_922 : i32
      %slice3A_924 = vector.extract_strided_slice %get3A_129 {offsets = [8], sizes = [1], strides = [1]} : vector<16xf32> to vector<1xf32>
      %squeeze3A_925 = vector.extract %slice3A_924[0] : f32 from vector<1xf32>
      %get3A_926 = arith.index_cast %select_n3A_920 : i32 to index
      %get3A_927 = arith.index_cast %sub3A_923 : i32 to index
      %get3A_928 = arith.constant 0 : index
      %get3A_929 = tpu.vector_load %arg8[%get3A_926, %get3A_927, %get3A_928] {strides = array<i32>} : memref<4x80x128xf32, #tpu.memory_space<vmem>>, vector<1x1x16xf32>,
      %get3A_930 = vector.shape_cast %get3A_929 : vector<1x1x16xf32> to vector<16xf32>
      %mul3A_931 = vector.broadcast %squeeze3A_925 : f32 to vector<16xf32>
      %mul3A_932 = arith.mulf %mul3A_931, %get3A_930 : vector<16xf32>
      %add3A_933 = arith.addf %add3A_838, %mul3A_932 : vector<16xf32>
      %get3A_934 = arith.index_cast %select_n3A_920 : i32 to index
      %get3A_935 = arith.index_cast %sub3A_923 : i32 to index
      %get3A_936 = arith.constant 16 : index
      %get3A_937 = tpu.vector_load %arg8[%get3A_934, %get3A_935, %get3A_936] {strides = array<i32>} : memref<4x80x128xf32, #tpu.memory_space<vmem>>, vector<1x1x16xf32>,
      %get3A_938 = vector.shape_cast %get3A_937 : vector<1x1x16xf32> to vector<16xf32>
      %mul3A_939 = vector.broadcast %squeeze3A_925 : f32 to vector<16xf32>
      %mul3A_940 = arith.mulf %mul3A_939, %get3A_938 : vector<16xf32>
      %add3A_941 = arith.addf %add3A_846, %mul3A_940 : vector<16xf32>
      %get3A_942 = arith.index_cast %select_n3A_920 : i32 to index
      %get3A_943 = arith.index_cast %sub3A_923 : i32 to index
      %get3A_944 = arith.constant 32 : index
      %get3A_945 = tpu.vector_load %arg8[%get3A_942, %get3A_943, %get3A_944] {strides = array<i32>} : memref<4x80x128xf32, #tpu.memory_space<vmem>>, vector<1x1x16xf32>,
      %get3A_946 = vector.shape_cast %get3A_945 : vector<1x1x16xf32> to vector<16xf32>
      %mul3A_947 = vector.broadcast %squeeze3A_925 : f32 to vector<16xf32>
      %mul3A_948 = arith.mulf %mul3A_947, %get3A_946 : vector<16xf32>
      %add3A_949 = arith.addf %add3A_854, %mul3A_948 : vector<16xf32>
      %get3A_950 = arith.index_cast %select_n3A_920 : i32 to index
      %get3A_951 = arith.index_cast %sub3A_923 : i32 to index
      %get3A_952 = arith.constant 48 : index
      %get3A_953 = tpu.vector_load %arg8[%get3A_950, %get3A_951, %get3A_952] {strides = array<i32>} : memref<4x80x128xf32, #tpu.memory_space<vmem>>, vector<1x1x16xf32>,
      %get3A_954 = vector.shape_cast %get3A_953 : vector<1x1x16xf32> to vector<16xf32>
      %mul3A_955 = vector.broadcast %squeeze3A_925 : f32 to vector<16xf32>
      %mul3A_956 = arith.mulf %mul3A_955, %get3A_954 : vector<16xf32>
      %add3A_957 = arith.addf %add3A_862, %mul3A_956 : vector<16xf32>
      %get3A_958 = arith.index_cast %select_n3A_920 : i32 to index
      %get3A_959 = arith.index_cast %sub3A_923 : i32 to index
      %get3A_960 = arith.constant 64 : index
      %get3A_961 = tpu.vector_load %arg8[%get3A_958, %get3A_959, %get3A_960] {strides = array<i32>} : memref<4x80x128xf32, #tpu.memory_space<vmem>>, vector<1x1x16xf32>,
      %get3A_962 = vector.shape_cast %get3A_961 : vector<1x1x16xf32> to vector<16xf32>
      %mul3A_963 = vector.broadcast %squeeze3A_925 : f32 to vector<16xf32>
      %mul3A_964 = arith.mulf %mul3A_963, %get3A_962 : vector<16xf32>
      %add3A_965 = arith.addf %add3A_870, %mul3A_964 : vector<16xf32>
      %get3A_966 = arith.index_cast %select_n3A_920 : i32 to index
      %get3A_967 = arith.index_cast %sub3A_923 : i32 to index
      %get3A_968 = arith.constant 80 : index
      %get3A_969 = tpu.vector_load %arg8[%get3A_966, %get3A_967, %get3A_968] {strides = array<i32>} : memref<4x80x128xf32, #tpu.memory_space<vmem>>, vector<1x1x16xf32>,
      %get3A_970 = vector.shape_cast %get3A_969 : vector<1x1x16xf32> to vector<16xf32>
      %mul3A_971 = vector.broadcast %squeeze3A_925 : f32 to vector<16xf32>
      %mul3A_972 = arith.mulf %mul3A_971, %get3A_970 : vector<16xf32>
      %add3A_973 = arith.addf %add3A_878, %mul3A_972 : vector<16xf32>
      %get3A_974 = arith.index_cast %select_n3A_920 : i32 to index
      %get3A_975 = arith.index_cast %sub3A_923 : i32 to index
      %get3A_976 = arith.constant 96 : index
      %get3A_977 = tpu.vector_load %arg8[%get3A_974, %get3A_975, %get3A_976] {strides = array<i32>} : memref<4x80x128xf32, #tpu.memory_space<vmem>>, vector<1x1x16xf32>,
      %get3A_978 = vector.shape_cast %get3A_977 : vector<1x1x16xf32> to vector<16xf32>
      %mul3A_979 = vector.broadcast %squeeze3A_925 : f32 to vector<16xf32>
      %mul3A_980 = arith.mulf %mul3A_979, %get3A_978 : vector<16xf32>
      %add3A_981 = arith.addf %add3A_886, %mul3A_980 : vector<16xf32>
      %get3A_982 = arith.index_cast %select_n3A_920 : i32 to index
      %get3A_983 = arith.index_cast %sub3A_923 : i32 to index
      %get3A_984 = arith.constant 112 : index
      %get3A_985 = tpu.vector_load %arg8[%get3A_982, %get3A_983, %get3A_984] {strides = array<i32>} : memref<4x80x128xf32, #tpu.memory_space<vmem>>, vector<1x1x16xf32>,
      %get3A_986 = vector.shape_cast %get3A_985 : vector<1x1x16xf32> to vector<16xf32>
      %mul3A_987 = vector.broadcast %squeeze3A_925 : f32 to vector<16xf32>
      %mul3A_988 = arith.mulf %mul3A_987, %get3A_986 : vector<16xf32>
      %add3A_989 = arith.addf %add3A_894, %mul3A_988 : vector<16xf32>
      %add3A_990 = arith.constant 9 : i32
      %add3A_991 = arith.addi %mul3A_125, %add3A_990 : i32
      %jit3A_992 = arith.constant 80 : i32
      %div3A_993 = arith.divsi %add3A_991, %jit3A_992 : i32
      %sign3A_994 = arith.constant 0 : i32
      %sign3A_995 = arith.cmpi sgt, %add3A_991, %sign3A_994 : i32
      %sign3A_996 = arith.extui %sign3A_995 : i1 to i32
      %sign3A_997 = arith.constant 0 : i32
      %sign3A_998 = arith.cmpi slt, %add3A_991, %sign3A_997 : i32
      %sign3A_999 = arith.extui %sign3A_998 : i1 to i32
      %sign3A_1000 = arith.subi %sign3A_996, %sign3A_999 : i32
      %sign3A_1001 = arith.constant 0 : i32
      %sign3A_1002 = arith.cmpi sgt, %jit3A_992, %sign3A_1001 : i32
      %sign3A_1003 = arith.extui %sign3A_1002 : i1 to i32
      %sign3A_1004 = arith.constant 0 : i32
      %sign3A_1005 = arith.cmpi slt, %jit3A_992, %sign3A_1004 : i32
      %sign3A_1006 = arith.extui %sign3A_1005 : i1 to i32
      %sign3A_1007 = arith.subi %sign3A_1003, %sign3A_1006 : i32
      %ne3A_1008 = arith.cmpi ne, %sign3A_1000, %sign3A_1007 : i32
      %rem3A_1009 = arith.remsi %add3A_991, %jit3A_992 : i32
      %ne3A_1010 = arith.constant 0 : i32
      %ne3A_1011 = arith.cmpi ne, %rem3A_1009, %ne3A_1010 : i32
      %and3A_1012 = arith.andi %ne3A_1008, %ne3A_1011 : i1
      %sub3A_1013 = arith.constant 1 : i32
      %sub3A_1014 = arith.subi %div3A_993, %sub3A_1013 : i32
      %select_n3A_1015 = arith.select %and3A_1012, %sub3A_1014, %div3A_993 : i32
      %mul3A_1016 = arith.constant 80 : i32
      %mul3A_1017 = arith.muli %select_n3A_1015, %mul3A_1016 : i32
      %sub3A_1018 = arith.subi %add3A_991, %mul3A_1017 : i32
      %slice3A_1019 = vector.extract_strided_slice %get3A_129 {offsets = [9], sizes = [1], strides = [1]} : vector<16xf32> to vector<1xf32>
      %squeeze3A_1020 = vector.extract %slice3A_1019[0] : f32 from vector<1xf32>
      %get3A_1021 = arith.index_cast %select_n3A_1015 : i32 to index
      %get3A_1022 = arith.index_cast %sub3A_1018 : i32 to index
      %get3A_1023 = arith.constant 0 : index
      %get3A_1024 = tpu.vector_load %arg8[%get3A_1021, %get3A_1022, %get3A_1023] {strides = array<i32>} : memref<4x80x128xf32, #tpu.memory_space<vmem>>, vector<1x1x16xf32>,
      %get3A_1025 = vector.shape_cast %get3A_1024 : vector<1x1x16xf32> to vector<16xf32>
      %mul3A_1026 = vector.broadcast %squeeze3A_1020 : f32 to vector<16xf32>
      %mul3A_1027 = arith.mulf %mul3A_1026, %get3A_1025 : vector<16xf32>
      %add3A_1028 = arith.addf %add3A_933, %mul3A_1027 : vector<16xf32>
      %get3A_1029 = arith.index_cast %select_n3A_1015 : i32 to index
      %get3A_1030 = arith.index_cast %sub3A_1018 : i32 to index
      %get3A_1031 = arith.constant 16 : index
      %get3A_1032 = tpu.vector_load %arg8[%get3A_1029, %get3A_1030, %get3A_1031] {strides = array<i32>} : memref<4x80x128xf32, #tpu.memory_space<vmem>>, vector<1x1x16xf32>,
      %get3A_1033 = vector.shape_cast %get3A_1032 : vector<1x1x16xf32> to vector<16xf32>
      %mul3A_1034 = vector.broadcast %squeeze3A_1020 : f32 to vector<16xf32>
      %mul3A_1035 = arith.mulf %mul3A_1034, %get3A_1033 : vector<16xf32>
      %add3A_1036 = arith.addf %add3A_941, %mul3A_1035 : vector<16xf32>
      %get3A_1037 = arith.index_cast %select_n3A_1015 : i32 to index
      %get3A_1038 = arith.index_cast %sub3A_1018 : i32 to index
      %get3A_1039 = arith.constant 32 : index
      %get3A_1040 = tpu.vector_load %arg8[%get3A_1037, %get3A_1038, %get3A_1039] {strides = array<i32>} : memref<4x80x128xf32, #tpu.memory_space<vmem>>, vector<1x1x16xf32>,
      %get3A_1041 = vector.shape_cast %get3A_1040 : vector<1x1x16xf32> to vector<16xf32>
      %mul3A_1042 = vector.broadcast %squeeze3A_1020 : f32 to vector<16xf32>
      %mul3A_1043 = arith.mulf %mul3A_1042, %get3A_1041 : vector<16xf32>
      %add3A_1044 = arith.addf %add3A_949, %mul3A_1043 : vector<16xf32>
      %get3A_1045 = arith.index_cast %select_n3A_1015 : i32 to index
      %get3A_1046 = arith.index_cast %sub3A_1018 : i32 to index
      %get3A_1047 = arith.constant 48 : index
      %get3A_1048 = tpu.vector_load %arg8[%get3A_1045, %get3A_1046, %get3A_1047] {strides = array<i32>} : memref<4x80x128xf32, #tpu.memory_space<vmem>>, vector<1x1x16xf32>,
      %get3A_1049 = vector.shape_cast %get3A_1048 : vector<1x1x16xf32> to vector<16xf32>
      %mul3A_1050 = vector.broadcast %squeeze3A_1020 : f32 to vector<16xf32>
      %mul3A_1051 = arith.mulf %mul3A_1050, %get3A_1049 : vector<16xf32>
      %add3A_1052 = arith.addf %add3A_957, %mul3A_1051 : vector<16xf32>
      %get3A_1053 = arith.index_cast %select_n3A_1015 : i32 to index
      %get3A_1054 = arith.index_cast %sub3A_1018 : i32 to index
      %get3A_1055 = arith.constant 64 : index
      %get3A_1056 = tpu.vector_load %arg8[%get3A_1053, %get3A_1054, %get3A_1055] {strides = array<i32>} : memref<4x80x128xf32, #tpu.memory_space<vmem>>, vector<1x1x16xf32>,
      %get3A_1057 = vector.shape_cast %get3A_1056 : vector<1x1x16xf32> to vector<16xf32>
      %mul3A_1058 = vector.broadcast %squeeze3A_1020 : f32 to vector<16xf32>
      %mul3A_1059 = arith.mulf %mul3A_1058, %get3A_1057 : vector<16xf32>
      %add3A_1060 = arith.addf %add3A_965, %mul3A_1059 : vector<16xf32>
      %get3A_1061 = arith.index_cast %select_n3A_1015 : i32 to index
      %get3A_1062 = arith.index_cast %sub3A_1018 : i32 to index
      %get3A_1063 = arith.constant 80 : index
      %get3A_1064 = tpu.vector_load %arg8[%get3A_1061, %get3A_1062, %get3A_1063] {strides = array<i32>} : memref<4x80x128xf32, #tpu.memory_space<vmem>>, vector<1x1x16xf32>,
      %get3A_1065 = vector.shape_cast %get3A_1064 : vector<1x1x16xf32> to vector<16xf32>
      %mul3A_1066 = vector.broadcast %squeeze3A_1020 : f32 to vector<16xf32>
      %mul3A_1067 = arith.mulf %mul3A_1066, %get3A_1065 : vector<16xf32>
      %add3A_1068 = arith.addf %add3A_973, %mul3A_1067 : vector<16xf32>
      %get3A_1069 = arith.index_cast %select_n3A_1015 : i32 to index
      %get3A_1070 = arith.index_cast %sub3A_1018 : i32 to index
      %get3A_1071 = arith.constant 96 : index
      %get3A_1072 = tpu.vector_load %arg8[%get3A_1069, %get3A_1070, %get3A_1071] {strides = array<i32>} : memref<4x80x128xf32, #tpu.memory_space<vmem>>, vector<1x1x16xf32>,
      %get3A_1073 = vector.shape_cast %get3A_1072 : vector<1x1x16xf32> to vector<16xf32>
      %mul3A_1074 = vector.broadcast %squeeze3A_1020 : f32 to vector<16xf32>
      %mul3A_1075 = arith.mulf %mul3A_1074, %get3A_1073 : vector<16xf32>
      %add3A_1076 = arith.addf %add3A_981, %mul3A_1075 : vector<16xf32>
      %get3A_1077 = arith.index_cast %select_n3A_1015 : i32 to index
      %get3A_1078 = arith.index_cast %sub3A_1018 : i32 to index
      %get3A_1079 = arith.constant 112 : index
      %get3A_1080 = tpu.vector_load %arg8[%get3A_1077, %get3A_1078, %get3A_1079] {strides = array<i32>} : memref<4x80x128xf32, #tpu.memory_space<vmem>>, vector<1x1x16xf32>,
      %get3A_1081 = vector.shape_cast %get3A_1080 : vector<1x1x16xf32> to vector<16xf32>
      %mul3A_1082 = vector.broadcast %squeeze3A_1020 : f32 to vector<16xf32>
      %mul3A_1083 = arith.mulf %mul3A_1082, %get3A_1081 : vector<16xf32>
      %add3A_1084 = arith.addf %add3A_989, %mul3A_1083 : vector<16xf32>
      %swap3A = arith.index_cast %scan3A_123 : i32 to index
      %swap3A_1085 = arith.constant 0 : index
      %swap3A_1086 = tpu.vector_load %arg9[%swap3A, %swap3A_1085] {strides = array<i32>} : memref<32x128xf32, #tpu.memory_space<vmem>>, vector<1x16xf32>,
      %swap3A_1087 = vector.shape_cast %swap3A_1086 : vector<1x16xf32> to vector<16xf32>
      %swap3A_1088 = vector.shape_cast %add3A_1028 : vector<16xf32> to vector<1x16xf32>
      tpu.vector_store %arg9[%swap3A, %swap3A_1085], %swap3A_1088 {strides = array<i32>} : memref<32x128xf32, #tpu.memory_space<vmem>>, vector<1x16xf32>,
      %swap3A_1089 = arith.index_cast %scan3A_123 : i32 to index
      %swap3A_1090 = arith.constant 16 : index
      %swap3A_1091 = tpu.vector_load %arg9[%swap3A_1089, %swap3A_1090] {strides = array<i32>} : memref<32x128xf32, #tpu.memory_space<vmem>>, vector<1x16xf32>,
      %swap3A_1092 = vector.shape_cast %swap3A_1091 : vector<1x16xf32> to vector<16xf32>
      %swap3A_1093 = vector.shape_cast %add3A_1036 : vector<16xf32> to vector<1x16xf32>
      tpu.vector_store %arg9[%swap3A_1089, %swap3A_1090], %swap3A_1093 {strides = array<i32>} : memref<32x128xf32, #tpu.memory_space<vmem>>, vector<1x16xf32>,
      %swap3A_1094 = arith.index_cast %scan3A_123 : i32 to index
      %swap3A_1095 = arith.constant 32 : index
      %swap3A_1096 = tpu.vector_load %arg9[%swap3A_1094, %swap3A_1095] {strides = array<i32>} : memref<32x128xf32, #tpu.memory_space<vmem>>, vector<1x16xf32>,
      %swap3A_1097 = vector.shape_cast %swap3A_1096 : vector<1x16xf32> to vector<16xf32>
      %swap3A_1098 = vector.shape_cast %add3A_1044 : vector<16xf32> to vector<1x16xf32>
      tpu.vector_store %arg9[%swap3A_1094, %swap3A_1095], %swap3A_1098 {strides = array<i32>} : memref<32x128xf32, #tpu.memory_space<vmem>>, vector<1x16xf32>,
      %swap3A_1099 = arith.index_cast %scan3A_123 : i32 to index
      %swap3A_1100 = arith.constant 48 : index
      %swap3A_1101 = tpu.vector_load %arg9[%swap3A_1099, %swap3A_1100] {strides = array<i32>} : memref<32x128xf32, #tpu.memory_space<vmem>>, vector<1x16xf32>,
      %swap3A_1102 = vector.shape_cast %swap3A_1101 : vector<1x16xf32> to vector<16xf32>
      %swap3A_1103 = vector.shape_cast %add3A_1052 : vector<16xf32> to vector<1x16xf32>
      tpu.vector_store %arg9[%swap3A_1099, %swap3A_1100], %swap3A_1103 {strides = array<i32>} : memref<32x128xf32, #tpu.memory_space<vmem>>, vector<1x16xf32>,
      %swap3A_1104 = arith.index_cast %scan3A_123 : i32 to index
      %swap3A_1105 = arith.constant 64 : index
      %swap3A_1106 = tpu.vector_load %arg9[%swap3A_1104, %swap3A_1105] {strides = array<i32>} : memref<32x128xf32, #tpu.memory_space<vmem>>, vector<1x16xf32>,
      %swap3A_1107 = vector.shape_cast %swap3A_1106 : vector<1x16xf32> to vector<16xf32>
      %swap3A_1108 = vector.shape_cast %add3A_1060 : vector<16xf32> to vector<1x16xf32>
      tpu.vector_store %arg9[%swap3A_1104, %swap3A_1105], %swap3A_1108 {strides = array<i32>} : memref<32x128xf32, #tpu.memory_space<vmem>>, vector<1x16xf32>,
      %swap3A_1109 = arith.index_cast %scan3A_123 : i32 to index
      %swap3A_1110 = arith.constant 80 : index
      %swap3A_1111 = tpu.vector_load %arg9[%swap3A_1109, %swap3A_1110] {strides = array<i32>} : memref<32x128xf32, #tpu.memory_space<vmem>>, vector<1x16xf32>,
      %swap3A_1112 = vector.shape_cast %swap3A_1111 : vector<1x16xf32> to vector<16xf32>
      %swap3A_1113 = vector.shape_cast %add3A_1068 : vector<16xf32> to vector<1x16xf32>
      tpu.vector_store %arg9[%swap3A_1109, %swap3A_1110], %swap3A_1113 {strides = array<i32>} : memref<32x128xf32, #tpu.memory_space<vmem>>, vector<1x16xf32>,
      %swap3A_1114 = arith.index_cast %scan3A_123 : i32 to index
      %swap3A_1115 = arith.constant 96 : index
      %swap3A_1116 = tpu.vector_load %arg9[%swap3A_1114, %swap3A_1115] {strides = array<i32>} : memref<32x128xf32, #tpu.memory_space<vmem>>, vector<1x16xf32>,
      %swap3A_1117 = vector.shape_cast %swap3A_1116 : vector<1x16xf32> to vector<16xf32>
      %swap3A_1118 = vector.shape_cast %add3A_1076 : vector<16xf32> to vector<1x16xf32>
      tpu.vector_store %arg9[%swap3A_1114, %swap3A_1115], %swap3A_1118 {strides = array<i32>} : memref<32x128xf32, #tpu.memory_space<vmem>>, vector<1x16xf32>,
      %swap3A_1119 = arith.index_cast %scan3A_123 : i32 to index
      %swap3A_1120 = arith.constant 112 : index
      %swap3A_1121 = tpu.vector_load %arg9[%swap3A_1119, %swap3A_1120] {strides = array<i32>} : memref<32x128xf32, #tpu.memory_space<vmem>>, vector<1x16xf32>,
      %swap3A_1122 = vector.shape_cast %swap3A_1121 : vector<1x16xf32> to vector<16xf32>
      %swap3A_1123 = vector.shape_cast %add3A_1084 : vector<16xf32> to vector<1x16xf32>
      tpu.vector_store %arg9[%swap3A_1119, %swap3A_1120], %swap3A_1123 {strides = array<i32>} : memref<32x128xf32, #tpu.memory_space<vmem>>, vector<1x16xf32>,
    }
    %scan3A_120 = arith.constant 32 : i32
    %mul3A_121 = arith.constant 32 : i32
    %mul3A_122 = arith.muli %add3A, %mul3A_121 : i32
    "tpu.region"() ({
      %run_scoped3A_123 = tpu.sem_alloc : memref<!tpu.dma_semaphore, #tpu.memory_space<semaphore_mem>>
      %dma_start3A_124 = arith.constant 0 : i32
      %dma_start3A_125 = tpu.memref_slice %arg5[%mul3A_122, %dma_start3A_124] : memref<1024x128xf32, #tpu.memory_space<hbm>> -> memref<32x128xf32, #tpu.memory_space<hbm>>
      %dma_start3A_126 = arith.constant 0 : i32
      %dma_start3A_127 = tpu.memref_slice %arg5[%mul3A_122, %dma_start3A_126] : memref<1024x128xf32, #tpu.memory_space<hbm>> -> memref<32x128xf32, #tpu.memory_space<hbm>>
      tpu.enqueue_dma source(%arg9 : memref<32x128xf32, #tpu.memory_space<vmem>>) target(%dma_start3A_127 : memref<32x128xf32, #tpu.memory_space<hbm>>) target_semaphore(%run_scoped3A_123 : memref<!tpu.dma_semaphore, #tpu.memory_space<semaphore_mem>>)
      %dma_wait3A_128 = arith.constant 0 : i32
      %dma_wait3A_129 = tpu.memref_slice %arg5[%mul3A_122, %dma_wait3A_128] : memref<1024x128xf32, #tpu.memory_space<hbm>> -> memref<32x128xf32, #tpu.memory_space<hbm>>
      %dma_wait3A_130 = arith.constant 0 : i32
      %dma_wait3A_131 = tpu.memref_slice %arg5[%mul3A_122, %dma_wait3A_130] : memref<1024x128xf32, #tpu.memory_space<hbm>> -> memref<32x128xf32, #tpu.memory_space<hbm>>
      tpu.wait_dma2 semaphore(%run_scoped3A_123 : memref<!tpu.dma_semaphore, #tpu.memory_space<semaphore_mem>>) src(%arg9 : memref<32x128xf32, #tpu.memory_space<vmem>>) dst(%dma_wait3A_131 : memref<32x128xf32, #tpu.memory_space<hbm>>)
      tpu.yield
    }) : () -> ()
    return
  }
}

module attributes {stable_mosaic.version = 14 : i64} {
  func.func @_topk_body(%arg0: i32, %arg1: i32, %arg2: memref<256x512xf32, #tpu.memory_space<vmem>>, %arg3: memref<512x128xf32, #tpu.memory_space<vmem>>, %arg4: memref<128xf32, #tpu.memory_space<vmem>>, %arg5: memref<1024x128xf32, #tpu.memory_space<vmem>>, %arg6: memref<1x1024xf32, #tpu.memory_space<vmem>>, %arg7: memref<256x10xi32, #tpu.memory_space<vmem>>, %arg8: memref<256x10xf32, #tpu.memory_space<vmem>>, %arg9: memref<256x128xf32, #tpu.memory_space<vmem>>, %arg10: memref<256x16xf32, #tpu.memory_space<vmem>>, %arg11: memref<256x16xi32, #tpu.memory_space<vmem>>) attributes {dimension_semantics = [#tpu.dimension_semantics<arbitrary>, #tpu.dimension_semantics<arbitrary>], iteration_bounds = array<i64: 4, 98>, scalar_prefetch = 0 : i64, scratch_operands = 3 : i64, tpu.core_type = #tpu.core_type<tc>, window_params = [{transform_indices = @transform_0, window_bounds = array<i64: 256, 512>}, {pipeline_mode = #tpu.pipeline_mode<synchronous>, transform_indices = @transform_1, window_bounds = array<i64: 512, 128>}, {pipeline_mode = #tpu.pipeline_mode<synchronous>, transform_indices = @transform_2, window_bounds = array<i64: 128>}, {transform_indices = @transform_3, window_bounds = array<i64: 1024, 128>}, {transform_indices = @transform_4, window_bounds = array<i64: 1, 1024>}, {transform_indices = @transform_5, window_bounds = array<i64: 256, 10>}, {transform_indices = @transform_6, window_bounds = array<i64: 256, 10>}]} {
    %eq3A = arith.constant 0 : i32
    %eq3A_0 = arith.cmpi eq, %arg1, %eq3A : i32
    %convert_element_type3A = arith.extui %eq3A_0 : i1 to i32
    %cond3A = arith.constant 0 : i32
    %cond3A_1 = arith.cmpi ne, %convert_element_type3A, %cond3A : i32
    scf.if %cond3A_1 {
      %get3A_47 = arith.constant 0 : index
      %get3A_48 = arith.constant 0 : index
      %get3A_49 = vector.load %arg2[%get3A_47, %get3A_48] : memref<256x512xf32, #tpu.memory_space<vmem>>, vector<256x512xf32>
      %convert_element_type3A_50 = arith.truncf %get3A_49 : vector<256x512xf32> to vector<256x512xbf16>
      %get3A_51 = arith.constant 0 : index
      %get3A_52 = arith.constant 0 : index
      %get3A_53 = vector.load %arg3[%get3A_51, %get3A_52] : memref<512x128xf32, #tpu.memory_space<vmem>>, vector<512x128xf32>
      %convert_element_type3A_54 = arith.truncf %get3A_53 : vector<512x128xf32> to vector<512x128xbf16>
      %dot_general3A_55 = arith.constant dense<0.000000e+00> : vector<256x128xf32>
      %dot_general3A_56 = tpu.matmul %convert_element_type3A_50, %convert_element_type3A_54, %dot_general3A_55 {dimension_numbers = #tpu.dot_dimension_numbers<[1], [0], [0], [1], [0, 0, 1, 1], [], []>, transpose_lhs_hint = false} : vector<256x512xbf16>, vector<512x128xbf16>, vector<256x128xf32> -> vector<256x128xf32>
      %get3A_57 = arith.constant 0 : index
      %get3A_58 = vector.load %arg4[%get3A_57] : memref<128xf32, #tpu.memory_space<vmem>>, vector<128xf32>
      %broadcast_in_dim3A_59 = vector.shape_cast %get3A_58 : vector<128xf32> to vector<1x128xf32>
      %add3A_60 = vector.broadcast %broadcast_in_dim3A_59 : vector<1x128xf32> to vector<256x128xf32>
      %add3A_61 = arith.addf %dot_general3A_56, %add3A_60 : vector<256x128xf32>
      %swap3A_62 = arith.constant 0 : index
      %swap3A_63 = arith.constant 0 : index
      %swap3A_64 = vector.load %arg9[%swap3A_62, %swap3A_63] : memref<256x128xf32, #tpu.memory_space<vmem>>, vector<256x128xf32>
      tpu.vector_store %arg9[%swap3A_62, %swap3A_63], %add3A_61 {strides = array<i32>} : memref<256x128xf32, #tpu.memory_space<vmem>>, vector<256x128xf32>,
      %broadcast_in_dim3A_65 = arith.constant 0xFF800000 : f32
      %broadcast_in_dim3A_66 = vector.broadcast %broadcast_in_dim3A_65 : f32 to vector<256x16xf32>
      %swap3A_67 = arith.constant 0 : index
      %swap3A_68 = arith.constant 0 : index
      %swap3A_69 = vector.load %arg10[%swap3A_67, %swap3A_68] : memref<256x16xf32, #tpu.memory_space<vmem>>, vector<256x16xf32>
      tpu.vector_store %arg10[%swap3A_67, %swap3A_68], %broadcast_in_dim3A_66 {strides = array<i32>} : memref<256x16xf32, #tpu.memory_space<vmem>>, vector<256x16xf32>,
      %broadcast_in_dim3A_70 = arith.constant 2147483647 : i32
      %broadcast_in_dim3A_71 = vector.broadcast %broadcast_in_dim3A_70 : i32 to vector<256x16xi32>
      %swap3A_72 = arith.constant 0 : index
      %swap3A_73 = arith.constant 0 : index
      %swap3A_74 = vector.load %arg11[%swap3A_72, %swap3A_73] : memref<256x16xi32, #tpu.memory_space<vmem>>, vector<256x16xi32>
      tpu.vector_store %arg11[%swap3A_72, %swap3A_73], %broadcast_in_dim3A_71 {strides = array<i32>} : memref<256x16xi32, #tpu.memory_space<vmem>>, vector<256x16xi32>,
    } else {
    }
    %get3A = arith.constant 0 : index
    %get3A_2 = arith.constant 0 : index
    %get3A_3 = vector.load %arg9[%get3A, %get3A_2] : memref<256x128xf32, #tpu.memory_space<vmem>>, vector<256x128xf32>
    %mul3A = arith.mulf %get3A_3, %get3A_3 : vector<256x128xf32>
    %reduce_sum3A = arith.constant dense<0.000000e+00> : vector<256xf32>
    %reduce_sum3A_4 = vector.multi_reduction <add>, %mul3A, %reduce_sum3A [1] : vector<256x128xf32> to vector<256xf32>
    %broadcast_in_dim3A = vector.shape_cast %reduce_sum3A_4 : vector<256xf32> to vector<256x1xf32>
    %get3A_5 = arith.constant 0 : index
    %get3A_6 = arith.constant 0 : index
    %get3A_7 = vector.load %arg5[%get3A_5, %get3A_6] : memref<1024x128xf32, #tpu.memory_space<vmem>>, vector<1024x128xf32>
    %convert_element_type3A_8 = arith.truncf %get3A_3 : vector<256x128xf32> to vector<256x128xbf16>
    %convert_element_type3A_9 = arith.truncf %get3A_7 : vector<1024x128xf32> to vector<1024x128xbf16>
    %dot_general3A = arith.constant dense<0.000000e+00> : vector<256x1024xf32>
    %dot_general3A_10 = tpu.matmul %convert_element_type3A_8, %convert_element_type3A_9, %dot_general3A {dimension_numbers = #tpu.dot_dimension_numbers<[1], [1], [0], [0], [0, 0, 1, 0], [], []>, transpose_lhs_hint = false} : vector<256x128xbf16>, vector<1024x128xbf16>, vector<256x1024xf32> -> vector<256x1024xf32>
    %get3A_11 = arith.constant 0 : index
    %get3A_12 = arith.constant 0 : index
    %get3A_13 = vector.load %arg6[%get3A_11, %get3A_12] : memref<1x1024xf32, #tpu.memory_space<vmem>>, vector<1x1024xf32>
    %mul3A_14 = arith.constant 2.000000e+00 : f32
    %mul3A_15 = vector.broadcast %mul3A_14 : f32 to vector<256x1024xf32>
    %mul3A_16 = arith.mulf %mul3A_15, %dot_general3A_10 : vector<256x1024xf32>
    %sub3A = vector.broadcast %broadcast_in_dim3A : vector<256x1xf32> to vector<256x1024xf32>
    %sub3A_17 = arith.subf %sub3A, %mul3A_16 : vector<256x1024xf32>
    %add3A = vector.broadcast %get3A_13 : vector<1x1024xf32> to vector<256x1024xf32>
    %add3A_18 = arith.addf %sub3A_17, %add3A : vector<256x1024xf32>
    %neg3A = arith.constant 0.000000e+00 : f32
    %neg3A_19 = vector.broadcast %neg3A : f32 to vector<256x1024xf32>
    %neg3A_20 = arith.subf %neg3A_19, %add3A_18 : vector<256x1024xf32>
    %iota3A = tpu.iota {dimensions = array<i32: 1>} : vector<256x1024xi32>
    %mul3A_21 = arith.constant 1024 : i32
    %mul3A_22 = arith.muli %arg1, %mul3A_21 : i32
    %add3A_23 = vector.broadcast %mul3A_22 : i32 to vector<256x1024xi32>
    %add3A_24 = arith.addi %add3A_23, %iota3A : vector<256x1024xi32>
    %lt3A = arith.constant 100000 : i32
    %lt3A_25 = vector.broadcast %lt3A : i32 to vector<256x1024xi32>
    %lt3A_26 = arith.cmpi slt, %add3A_24, %lt3A_25 : vector<256x1024xi32>
    %jit3A = arith.constant 0xFF800000 : f32
    %broadcast_in_dim3A_27 = vector.broadcast %jit3A : f32 to vector<256x1024xf32>
    %select_n3A = arith.select %lt3A_26, %neg3A_20, %broadcast_in_dim3A_27 : vector<256x1024xi1>, vector<256x1024xf32>
    %iota3A_28 = tpu.iota {dimensions = array<i32: 1>} : vector<256x16xi32>
    %reduce_max3A = arith.constant dense<0xFF800000> : vector<256xf32>
    %reduce_max3A_29 = vector.multi_reduction <maximumf>, %select_n3A, %reduce_max3A [1] : vector<256x1024xf32> to vector<256xf32>
    %broadcast_in_dim3A_30 = vector.shape_cast %reduce_max3A_29 : vector<256xf32> to vector<256x1xf32>
    %get3A_31 = arith.constant 0 : index
    %get3A_32 = arith.constant 0 : index
    %get3A_33 = vector.load %arg10[%get3A_31, %get3A_32] : memref<256x16xf32, #tpu.memory_space<vmem>>, vector<256x16xf32>
    %get3A_34 = arith.constant 0 : index
    %get3A_35 = arith.constant 0 : index
    %get3A_36 = vector.load %arg11[%get3A_34, %get3A_35] : memref<256x16xi32, #tpu.memory_space<vmem>>, vector<256x16xi32>
    %while3A:4 = scf.while (%while3A_47 = %select_n3A, %while3A_48 = %broadcast_in_dim3A_30, %while3A_49 = %get3A_33, %while3A_50 = %get3A_36) : (vector<256x1024xf32>, vector<256x1xf32>, vector<256x16xf32>, vector<256x16xi32>) -> (vector<256x1024xf32>, vector<256x1xf32>, vector<256x16xf32>, vector<256x16xi32>) {
      %slice3A = vector.extract_strided_slice %while3A_49 {offsets = [0, 9], sizes = [256, 1], strides = [1, 1]} : vector<256x16xf32> to vector<256x1xf32>
      %gt3A = arith.cmpf ogt, %while3A_48, %slice3A : vector<256x1xf32>
      %reduce_or3A = arith.constant 1.000000e+00 : f32
      %reduce_or3A_51 = arith.constant 0.000000e+00 : f32
      %reduce_or3A_52 = vector.broadcast %reduce_or3A : f32 to vector<256x1xf32>
      %reduce_or3A_53 = vector.broadcast %reduce_or3A_51 : f32 to vector<256x1xf32>
      %reduce_or3A_54 = arith.select %gt3A, %reduce_or3A_52, %reduce_or3A_53 : vector<256x1xi1>, vector<256x1xf32>
      %reduce_or3A_55 = vector.shape_cast %reduce_or3A_54 : vector<256x1xf32> to vector<1x256x1xf32>
      %reduce_or3A_56 = arith.constant dense<0xFF800000> : vector<1xf32>
      %reduce_or3A_57 = vector.multi_reduction <maximumf>, %reduce_or3A_55, %reduce_or3A_56 [1, 2] : vector<1x256x1xf32> to vector<1xf32>
      %reduce_or3A_58 = vector.shape_cast %reduce_or3A_57 : vector<1xf32> to vector<1x1x1xf32>
      %reduce_or3A_59 = vector.extract %reduce_or3A_58[0, 0, 0] : f32 from vector<1x1x1xf32>
      %reduce_or3A_60 = arith.constant 0.000000e+00 : f32
      %reduce_or3A_61 = arith.cmpf ogt, %reduce_or3A_59, %reduce_or3A_60 : f32
      scf.condition(%reduce_or3A_61) %while3A_47, %while3A_48, %while3A_49, %while3A_50 : vector<256x1024xf32>, vector<256x1xf32>, vector<256x16xf32>, vector<256x16xi32>
    } do {
    ^bb0(%while3A_47: vector<256x1024xf32>, %while3A_48: vector<256x1xf32>, %while3A_49: vector<256x16xf32>, %while3A_50: vector<256x16xi32>):
      %slice3A = vector.extract_strided_slice %while3A_49 {offsets = [0, 9], sizes = [256, 1], strides = [1, 1]} : vector<256x16xf32> to vector<256x1xf32>
      %gt3A = arith.cmpf ogt, %while3A_48, %slice3A : vector<256x1xf32>
      %eq3A_51 = vector.broadcast %while3A_48 : vector<256x1xf32> to vector<256x1024xf32>
      %eq3A_52 = arith.cmpf oeq, %while3A_47, %eq3A_51 : vector<256x1024xf32>
      %jit3A_53 = arith.constant 1024 : i32
      %broadcast_in_dim3A_54 = vector.broadcast %jit3A_53 : i32 to vector<256x1024xi32>
      %select_n3A_55 = arith.select %eq3A_52, %iota3A, %broadcast_in_dim3A_54 : vector<256x1024xi1>, vector<256x1024xi32>
      %reduce_min3A = arith.constant dense<2147483647> : vector<256xi32>
      %reduce_min3A_56 = vector.multi_reduction <minsi>, %select_n3A_55, %reduce_min3A [1] : vector<256x1024xi32> to vector<256xi32>
      %broadcast_in_dim3A_57 = vector.shape_cast %reduce_min3A_56 : vector<256xi32> to vector<256x1xi32>
      %mul3A_58 = arith.constant 1024 : i32
      %mul3A_59 = arith.muli %arg1, %mul3A_58 : i32
      %add3A_60 = vector.broadcast %mul3A_59 : i32 to vector<256x1xi32>
      %add3A_61 = arith.addi %add3A_60, %broadcast_in_dim3A_57 : vector<256x1xi32>
      %ge3A = vector.broadcast %while3A_48 : vector<256x1xf32> to vector<256x16xf32>
      %ge3A_62 = arith.cmpf oge, %while3A_49, %ge3A : vector<256x16xf32>
      %convert_element_type3A_63 = arith.extui %ge3A_62 : vector<256x16xi1> to vector<256x16xi32>
      %reduce_sum3A_64 = arith.constant dense<0> : vector<256xi32>
      %reduce_sum3A_65 = vector.multi_reduction <add>, %convert_element_type3A_63, %reduce_sum3A_64 [1] : vector<256x16xi32> to vector<256xi32>
      %broadcast_in_dim3A_66 = vector.shape_cast %reduce_sum3A_65 : vector<256xi32> to vector<256x1xi32>
      %slice3A_67 = vector.extract_strided_slice %while3A_49 {offsets = [0, 0], sizes = [256, 1], strides = [1, 1]} : vector<256x16xf32> to vector<256x1xf32>
      %slice3A_68 = vector.extract_strided_slice %while3A_49 {offsets = [0, 0], sizes = [256, 15], strides = [1, 1]} : vector<256x16xf32> to vector<256x15xf32>
      %concatenate3A = tpu.concatenate %slice3A_67, %slice3A_68 in 1 : vector<256x1xf32>, vector<256x15xf32> -> vector<256x16xf32>
      %slice3A_69 = vector.extract_strided_slice %while3A_50 {offsets = [0, 0], sizes = [256, 1], strides = [1, 1]} : vector<256x16xi32> to vector<256x1xi32>
      %slice3A_70 = vector.extract_strided_slice %while3A_50 {offsets = [0, 0], sizes = [256, 15], strides = [1, 1]} : vector<256x16xi32> to vector<256x15xi32>
      %concatenate3A_71 = tpu.concatenate %slice3A_69, %slice3A_70 in 1 : vector<256x1xi32>, vector<256x15xi32> -> vector<256x16xi32>
      %lt3A_72 = vector.broadcast %broadcast_in_dim3A_66 : vector<256x1xi32> to vector<256x16xi32>
      %lt3A_73 = arith.cmpi slt, %iota3A_28, %lt3A_72 : vector<256x16xi32>
      %eq3A_74 = vector.broadcast %broadcast_in_dim3A_66 : vector<256x1xi32> to vector<256x16xi32>
      %eq3A_75 = arith.cmpi eq, %iota3A_28, %eq3A_74 : vector<256x16xi32>
      %broadcast_in_dim3A_76 = vector.shape_cast %while3A_48 : vector<256x1xf32> to vector<256x1xf32>
      %broadcast_in_dim3A_77 = vector.broadcast %broadcast_in_dim3A_76 : vector<256x1xf32> to vector<256x16xf32>
      %select_n3A_78 = arith.select %eq3A_75, %broadcast_in_dim3A_77, %concatenate3A : vector<256x16xi1>, vector<256x16xf32>
      %select_n3A_79 = arith.select %lt3A_73, %while3A_49, %select_n3A_78 : vector<256x16xi1>, vector<256x16xf32>
      %lt3A_80 = vector.broadcast %broadcast_in_dim3A_66 : vector<256x1xi32> to vector<256x16xi32>
      %lt3A_81 = arith.cmpi slt, %iota3A_28, %lt3A_80 : vector<256x16xi32>
      %eq3A_82 = vector.broadcast %broadcast_in_dim3A_66 : vector<256x1xi32> to vector<256x16xi32>
      %eq3A_83 = arith.cmpi eq, %iota3A_28, %eq3A_82 : vector<256x16xi32>
      %broadcast_in_dim3A_84 = vector.shape_cast %add3A_61 : vector<256x1xi32> to vector<256x1xi32>
      %broadcast_in_dim3A_85 = vector.broadcast %broadcast_in_dim3A_84 : vector<256x1xi32> to vector<256x16xi32>
      %select_n3A_86 = arith.select %eq3A_83, %broadcast_in_dim3A_85, %concatenate3A_71 : vector<256x16xi1>, vector<256x16xi32>
      %select_n3A_87 = arith.select %lt3A_81, %while3A_50, %select_n3A_86 : vector<256x16xi1>, vector<256x16xi32>
      %broadcast_in_dim3A_88 = vector.shape_cast %gt3A : vector<256x1xi1> to vector<256x1xi1>
      %broadcast_in_dim3A_89 = vector.broadcast %broadcast_in_dim3A_88 : vector<256x1xi1> to vector<256x16xi1>
      %select_n3A_90 = arith.select %broadcast_in_dim3A_89, %select_n3A_79, %while3A_49 : vector<256x16xi1>, vector<256x16xf32>
      %broadcast_in_dim3A_91 = vector.shape_cast %gt3A : vector<256x1xi1> to vector<256x1xi1>
      %broadcast_in_dim3A_92 = vector.broadcast %broadcast_in_dim3A_91 : vector<256x1xi1> to vector<256x16xi1>
      %select_n3A_93 = arith.select %broadcast_in_dim3A_92, %select_n3A_87, %while3A_50 : vector<256x16xi1>, vector<256x16xi32>
      %eq3A_94 = vector.broadcast %broadcast_in_dim3A_57 : vector<256x1xi32> to vector<256x1024xi32>
      %eq3A_95 = arith.cmpi eq, %iota3A, %eq3A_94 : vector<256x1024xi32>
      %jit3A_96 = arith.constant 0xFF800000 : f32
      %broadcast_in_dim3A_97 = vector.broadcast %jit3A_96 : f32 to vector<256x1024xf32>
      %select_n3A_98 = arith.select %eq3A_95, %broadcast_in_dim3A_97, %while3A_47 : vector<256x1024xi1>, vector<256x1024xf32>
      %reduce_max3A_99 = arith.constant dense<0xFF800000> : vector<256xf32>
      %reduce_max3A_100 = vector.multi_reduction <maximumf>, %select_n3A_98, %reduce_max3A_99 [1] : vector<256x1024xf32> to vector<256xf32>
      %broadcast_in_dim3A_101 = vector.shape_cast %reduce_max3A_100 : vector<256xf32> to vector<256x1xf32>
      scf.yield %select_n3A_98, %broadcast_in_dim3A_101, %select_n3A_90, %select_n3A_93 : vector<256x1024xf32>, vector<256x1xf32>, vector<256x16xf32>, vector<256x16xi32>
    }
    %swap3A = arith.constant 0 : index
    %swap3A_37 = arith.constant 0 : index
    %swap3A_38 = vector.load %arg10[%swap3A, %swap3A_37] : memref<256x16xf32, #tpu.memory_space<vmem>>, vector<256x16xf32>
    tpu.vector_store %arg10[%swap3A, %swap3A_37], %while3A#2 {strides = array<i32>} : memref<256x16xf32, #tpu.memory_space<vmem>>, vector<256x16xf32>,
    %swap3A_39 = arith.constant 0 : index
    %swap3A_40 = arith.constant 0 : index
    %swap3A_41 = vector.load %arg11[%swap3A_39, %swap3A_40] : memref<256x16xi32, #tpu.memory_space<vmem>>, vector<256x16xi32>
    tpu.vector_store %arg11[%swap3A_39, %swap3A_40], %while3A#3 {strides = array<i32>} : memref<256x16xi32, #tpu.memory_space<vmem>>, vector<256x16xi32>,
    %eq3A_42 = arith.constant 97 : i32
    %eq3A_43 = arith.cmpi eq, %arg1, %eq3A_42 : i32
    %convert_element_type3A_44 = arith.extui %eq3A_43 : i1 to i32
    %cond3A_45 = arith.constant 0 : i32
    %cond3A_46 = arith.cmpi ne, %convert_element_type3A_44, %cond3A_45 : i32
    scf.if %cond3A_46 {
      %slice3A = vector.extract_strided_slice %while3A#2 {offsets = [0, 0], sizes = [256, 10], strides = [1, 1]} : vector<256x16xf32> to vector<256x10xf32>
      %slice3A_47 = vector.extract_strided_slice %slice3A {offsets = [0, 0], sizes = [256, 1], strides = [1, 1]} : vector<256x10xf32> to vector<256x1xf32>
      %sub3A_48 = vector.broadcast %slice3A_47 : vector<256x1xf32> to vector<256x10xf32>
      %sub3A_49 = arith.subf %slice3A, %sub3A_48 : vector<256x10xf32>
      %exp3A = math.exp %sub3A_49 : vector<256x10xf32>
      %reduce_sum3A_50 = arith.constant dense<0.000000e+00> : vector<256xf32>
      %reduce_sum3A_51 = vector.multi_reduction <add>, %exp3A, %reduce_sum3A_50 [1] : vector<256x10xf32> to vector<256xf32>
      %broadcast_in_dim3A_52 = vector.shape_cast %reduce_sum3A_51 : vector<256xf32> to vector<256x1xf32>
      %div3A = vector.broadcast %broadcast_in_dim3A_52 : vector<256x1xf32> to vector<256x10xf32>
      %div3A_53 = arith.divf %exp3A, %div3A : vector<256x10xf32>
      %swap3A_54 = arith.constant 0 : index
      %swap3A_55 = arith.constant 0 : index
      %swap3A_56 = vector.load %arg8[%swap3A_54, %swap3A_55] : memref<256x10xf32, #tpu.memory_space<vmem>>, vector<256x10xf32>
      tpu.vector_store %arg8[%swap3A_54, %swap3A_55], %div3A_53 {strides = array<i32>} : memref<256x10xf32, #tpu.memory_space<vmem>>, vector<256x10xf32>,
      %slice3A_57 = vector.extract_strided_slice %while3A#3 {offsets = [0, 0], sizes = [256, 10], strides = [1, 1]} : vector<256x16xi32> to vector<256x10xi32>
      %swap3A_58 = arith.constant 0 : index
      %swap3A_59 = arith.constant 0 : index
      %swap3A_60 = vector.load %arg7[%swap3A_58, %swap3A_59] : memref<256x10xi32, #tpu.memory_space<vmem>>, vector<256x10xi32>
      tpu.vector_store %arg7[%swap3A_58, %swap3A_59], %slice3A_57 {strides = array<i32>} : memref<256x10xi32, #tpu.memory_space<vmem>>, vector<256x10xi32>,
    } else {
    }
    return
  }
  func.func @transform_0(%arg0: i32, %arg1: i32) -> (i32, i32) {
    %c0_i32 = arith.constant 0 : i32
    %c0_i32_0 = arith.constant 0 : i32
    return %arg0, %c0_i32 : i32, i32
  }
  func.func @transform_1(%arg0: i32, %arg1: i32) -> (i32, i32) {
    %c0_i32 = arith.constant 0 : i32
    %c0_i32_0 = arith.constant 0 : i32
    %c0_i32_1 = arith.constant 0 : i32
    return %c0_i32, %c0_i32_0 : i32, i32
  }
  func.func @transform_2(%arg0: i32, %arg1: i32) -> i32 {
    %c0_i32 = arith.constant 0 : i32
    %c0_i32_0 = arith.constant 0 : i32
    return %c0_i32 : i32
  }
  func.func @transform_3(%arg0: i32, %arg1: i32) -> (i32, i32) {
    %c0_i32 = arith.constant 0 : i32
    %c0_i32_0 = arith.constant 0 : i32
    return %arg1, %c0_i32 : i32, i32
  }
  func.func @transform_4(%arg0: i32, %arg1: i32) -> (i32, i32) {
    %c0_i32 = arith.constant 0 : i32
    %c0_i32_0 = arith.constant 0 : i32
    return %c0_i32, %arg1 : i32, i32
  }
  func.func @transform_5(%arg0: i32, %arg1: i32) -> (i32, i32) {
    %c0_i32 = arith.constant 0 : i32
    %c0_i32_0 = arith.constant 0 : i32
    return %arg0, %c0_i32 : i32, i32
  }
  func.func @transform_6(%arg0: i32, %arg1: i32) -> (i32, i32) {
    %c0_i32 = arith.constant 0 : i32
    %c0_i32_0 = arith.constant 0 : i32
    return %arg0, %c0_i32 : i32, i32
  }
}

</mosaic_0001>

<sc_bundles>
// kernel: kernel.4.cloned.1.call-start
scs
__scs_entry_jumppad:
0x0: {  	(pc) =	sbr.rel $0x88, $3  }
0x1: {  	(tag) =	ssettag $0x0;
	lr =	simm.s32 $0x1  }
0x2: {  	[smem:$0x3F9D] =	sst lr;
	_ =	strace $0xD0000000  }
0x3: {  	_ = 	snop  }
0x4: {  	_ = 	snop  }
0x5: {  	_ = 	snop  }
0x6: {  	_ = 	snop  }
0x7: {  	_ = 	snop  }
__scs_overlays_trampoline_lowered:
0x8: {  	[smem:$0x3FAC] =	sst s0  }
0x9: {  	[smem:$0x3FAD] =	sst s1  }
0xa: {  	[smem:$0x3FAE] =	sst s2  }
0xb: {  	[smem:$0x3FAF] =	sst s3  }
0xc: {  	[smem:$0x3FB0] =	sst s4  }
0xd: {  	[smem:$0x3FB1] =	sst s5  }
0xe: {  	[smem:$0x3FB2] =	sst s6  }
0xf: {  	[smem:$0x3FB3] =	sst s7  }
0x10: {  	[smem:$0x3FB4] =	sst s8  }
0x11: {  	[smem:$0x3FB5] =	sst s9;
	s0 =	simm.s32 @!p0 $0x0  }
0x12: {  	s1 =	sld [smem:$0x3F9B];
	s0 =	simm.s32 @p0 $0x1  }
0x13: {  	[smem:$0x3FB6] =	sst s0;
	s0 =	simm.s32 @!p1 $0x0  }
0x14: {  	s2 =	sld [smem:$0x3F9A];
	s0 =	simm.s32 @p1 $0x1  }
0x15: {  	[smem:$0x3FB7] =	sst s0;
	s0 =	simm.s32 @!p2 $0x0  }
0x16: {  	s3 =	sld [smem:$0x3FDB];
	s0 =	simm.s32 @p2 $0x1  }
0x17: {  	s4 =	simm.s32 $0x1BF5;
	[smem:$0x3FB9] =	sst s0  }
0x18: {  	s0 =	sld [smem:$0x3F9C];
	_ =	swait.ge [sflag:s4], $0x0  }
0x19: {  	s7 =	sld [smem:$0x3F9D]  }
0x1a: {  	s8 =	sadd.s32 $0xFFFFE003, lr  }
0x1b: {  	s9 =	sadd.s32 $0xFFFFFEF7, lr;
	s5 =	simm.s32 $0xFFFFFFFF;
	p2 =	slt.u32 s8, $0xFFFFF086  }
0x1c: {  	p1 =	slt.u32 s9, $0xF7A;
	s5 =	simm.s32 @!p2 $0x0  }
0x1d: {  	s5 =	simm.s32 @p1 $0x1;
	p0 =	seq.s32 s7, s2  }
0x1e: {  	s7 =	smul.u32 @!p0 $0xF7A, s2;
	p2 =	seq.s32 @!p0 s5, $0x0  }
0x1f: {  	s9 =	smul.u32 $0xF7A, s1;
	s8 =	simm.s32 @!p0 $0x1BF5;
	p2 =	por !p2, p0  }
0x20: {  	[sflag:s8] =	ssyncset.s32 @!p0 $0xFFFFF086;
	s6 =	sadd.s32 @!p0 s3, s7;
	s7 =	simm.s32 @!p0 $0x108  }
0x21: {  	s3 =	sadd.s32 s3, s9;
	s6 =	sadd.s32 @!p0 $0x88, s6;
	s7 =	simm.s32 @p2 $0x1082  }
0x22: {  	[simem:s7], [sflag:s8] =	dma.local @!p0 [hbm:s6], $0xF7A  }
0x23: {  	s9 =	sor.u32 $0xD0000000, s2;
	s6 =	simm.s32 $0x108;
	_ =	swait.ge @!p0 [sflag:s8], $0x0  }
0x24: {  	s3 =	sadd.s32 $0x88, s3;
	s6 =	simm.s32 @!p1 $0x1082;
	[sflag:s4] =	ssyncset.s32 $0xFFFFF086  }
0x25: {  	[simem:s6], [sflag:s4] =	dma.local [hbm:s3], $0xF7A  }
0x26: {  	[smem:$0x3F9D] =	sst s1;
	(tag) =	ssettag s2;
	_ =	strace s9  }
0x27: {  	s1 =	sld [smem:$0x3FAD]  }
0x28: {  	s2 =	sld [smem:$0x3FAE]  }
0x29: {  	s4 =	sld [smem:$0x3FB0]  }
0x2a: {  	p0 =	seq.s32 s5, $0x0;
	s5 =	sld [smem:$0x3FB1]  }
0x2b: {  	s6 =	sld [smem:$0x3FB2]  }
0x2c: {  	s7 =	sld [smem:$0x3FB3]  }
0x2d: {  	s3 =	simm.s32 $0x108;
	s8 =	sld [smem:$0x3FB4]  }
0x2e: {  	s3 =	simm.s32 @!p0 $0x1082;
	s9 =	sld [smem:$0x3FB5]  }
0x2f: {  	lr =	sadd.s32 s0, s3;
	s0 =	sld [smem:$0x3FAC]  }
0x30: {  	s3 =	sld [smem:$0x3FAF]  }
0x31: {  	[smem:$0x3FB8] =	sst s10  }
0x32: {  	s10 =	sld [smem:$0x3FB6];
	_ =	sdelay $0x3  }
0x33: {  	p0 =	seq.s32 s10, $0x1;
	s10 =	sld [smem:$0x3FB8];
	_ =	sdelay $0x3  }
0x34: {  	[smem:$0x3FB8] =	sst s10  }
0x35: {  	s10 =	sld [smem:$0x3FB7];
	_ =	sdelay $0x3  }
0x36: {  	p1 =	seq.s32 s10, $0x1;
	s10 =	sld [smem:$0x3FB8];
	_ =	sdelay $0x3  }
0x37: {  	[smem:$0x3FB8] =	sst s10  }
0x38: {  	s10 =	sld [smem:$0x3FB9]  }
0x39: {  	_ = 	snop;
	(pc) =	sbr.ind lr, $3  }
0x3a: {  	_ = 	snop  }
0x3b: {  	_ = 	snop  }
0x3c: {  	p2 =	seq.s32 s10, $0x1;
	s10 =	sld [smem:$0x3FB8]  }
0x3d: {  	_ =	shalt  }
0x3e: {  	_ =	shalt  }
0x3f: {  	_ =	shalt  }
0x40: {  	_ =	shalt  }
0x41: {  	_ =	shalt  }
0x42: {  	_ =	shalt  }
0x43: {  	_ =	shalt  }
0x44: {  	_ =	shalt  }
0x45: {  	_ =	shalt  }
0x46: {  	_ =	shalt  }
0x47: {  	_ =	shalt  }
0x48: {  	_ =	shalt  }
0x49: {  	_ =	shalt  }
0x4a: {  	_ =	shalt  }
0x4b: {  	_ =	shalt  }
0x4c: {  	_ =	shalt  }
0x4d: {  	_ =	shalt  }
0x4e: {  	_ =	shalt  }
0x4f: {  	_ =	shalt  }
0x50: {  	_ =	shalt  }
0x51: {  	_ =	shalt  }
0x52: {  	_ =	shalt  }
0x53: {  	_ =	shalt  }
0x54: {  	_ =	shalt  }
0x55: {  	_ =	shalt  }
0x56: {  	_ =	shalt  }
0x57: {  	_ =	shalt  }
0x58: {  	_ =	shalt  }
0x59: {  	_ =	shalt  }
0x5a: {  	_ =	shalt  }
0x5b: {  	_ =	shalt  }
0x5c: {  	_ =	shalt  }
0x5d: {  	_ =	shalt  }
0x5e: {  	_ =	shalt  }
0x5f: {  	_ =	shalt  }
0x60: {  	_ =	shalt  }
0x61: {  	_ =	shalt  }
0x62: {  	_ =	shalt  }
0x63: {  	_ =	shalt  }
0x64: {  	_ =	shalt  }
0x65: {  	_ =	shalt  }
0x66: {  	_ =	shalt  }
0x67: {  	_ =	shalt  }
0x68: {  	_ =	shalt  }
0x69: {  	_ =	shalt  }
0x6a: {  	_ =	shalt  }
0x6b: {  	_ =	shalt  }
0x6c: {  	_ =	shalt  }
0x6d: {  	_ =	shalt  }
0x6e: {  	_ =	shalt  }
0x6f: {  	_ =	shalt  }
0x70: {  	_ =	shalt  }
0x71: {  	_ =	shalt  }
0x72: {  	_ =	shalt  }
0x73: {  	_ =	shalt  }
0x74: {  	_ =	shalt  }
0x75: {  	_ =	shalt  }
0x76: {  	_ =	shalt  }
0x77: {  	_ =	shalt  }
0x78: {  	_ =	shalt  }
0x79: {  	_ =	shalt  }
0x7a: {  	_ =	shalt  }
0x7b: {  	_ =	shalt  }
0x7c: {  	_ =	shalt  }
0x7d: {  	_ =	shalt  }
0x7e: {  	_ =	shalt  }
0x7f: {  	_ =	shalt  }
0x80: {  	_ =	shalt  }
0x81: {  	_ =	shalt  }
0x82: {  	_ =	shalt  }
0x83: {  	_ =	shalt  }
0x84: {  	_ =	shalt  }
0x85: {  	_ =	shalt  }
0x86: {  	_ =	shalt  }
0x87: {  	_ =	shalt  }
.Lfunc_end0:
.L_simem_size_0:
called_computation_lowered:
.L_overlay_start_0:
0x88: {  	s2 =	sld [smem:$0x3FD9]  }
0x89: {  	s3 =	sld [smem:$0x3FFE];
	_ =	sdelay $0x1  }
0x8a: {  	s1 =	srdreg.scid  }
0x8b: {  	s0 =	sand.u32 $0x1, s1  }
0x8c: {  	s14 =	sshll.u32 s0, $0xA;
	s2 =	sadd.s32 s3, s2  }
0x8d: {  	s2 =	sadd.s32 s2, s14  }
0x8e: {  	[smem:$0x3FC4] =	sst s2  }
0x8f: {  	_ = 	snop  }
0x90: {  	s2 =	sld [smem:$0x3FD0];
	_ =	sdelay $0x2  }
0x91: {  	s4 =	simm.s32 $0xA;
	s5 =	simm.s32 $0x10;
	s15 =	sld [smem:$0x3FC8]  }
0x92: {  	[smem:s5], [sflag:s4] =	dma.local [hbm:s2], $0x1  }
0x93: {  	_ =	swait.eq [sflag:s4], $0x1  }
0x94: {  	[sflag:s4] =	ssyncset.done $0x0  }
0x95: {  	[sflag:s4] =	ssyncadd.s32 $0xFFFFFFFF  }
0x96: {  	s16 =	sld [smem:$0x10];
	(tm) =	ssettm $0x1  }
0x97: {  	s17 =	sld [smem:$0x3FFB];
	_ =	sdelay $0x3  }
0x98: {  	_ =	strace s17  }
0x99: {  	s4 =	sld [smem:$0x3FFC];
	_ =	sdelay $0x3  }
0x9a: {  	_ =	strace s4  }
0x9b: {  	s4 =	sld [smem:$0x3FFD];
	_ =	sdelay $0x3  }
0x9c: {  	_ =	strace s4  }
0x9d: {  	_ =	strace $0x8FFFFFFF  }
0x9e: {  	s18 =	sld [smem:$0x3FDB];
	_ =	sdelay $0x1  }
0x9f: {  	s19 =	simm.s32 $_scs_section_size  }
0xa0: {  	s6 =	simm.s32 $_size__tile_overlayer_lowered;
	s7 =	simm.s32 $_tile_overlayer_lowered  }
0xa1: {  	s22 =	simm.s32 $0x1BFF;
	s21 =	sshll.u32 s7, $0x1;
	s4 =	sadd.s32 s19, s18  }
0xa2: {  	s8 =	simm.s32 $0x0;
	s20 =	sshll.u32 s6, $0x1;
	s6 =	sadd.s32 s21, s4  }
0xa3: {  	[timem:s8], [sflag:s22] =	dma.local [hbm:s6], s20  }
0xa4: {  	_ =	swait.ge [sflag:s22], s20  }
0xa5: {  	s5 =	ssub.s32 $0x0, s20;
	[sflag:s22] =	ssyncset.done $0x0  }
0xa6: {  	[sflag:s22] =	ssyncadd.s32 s5;
	_ =	sdelay $0x1  }
0xa7: {  	s23 =	simm.s32 $0x1B8B  }
0xa8: {  	_ =	swait.ge [sflag:s23], $0x1  }
0xa9: {  	[sflag:s23] =	ssyncset.done $0x0  }
0xaa: {  	s25 =	simm.s32 $0x1B8E;
	s24 =	sld [smem:$0x3FFE];
	[sflag:s23] =	ssyncadd.s32 $0xFFFFFFFF  }
0xab: {  	s26 =	simm.s32 $execute0_lowered;
	[smem:$0x3FD2] =	sst s25  }
0xac: {  	s6 =	sshll.u32 s26, $0x1;
	_ =	strace $0x80000046;
	[dreg:$0x1] =	wrdreg $0xFFFFFFFF  }
0xad: {  	s28 =	simm.s32 $_size_execute0_lowered;
	s4 =	sadd.s32 s4, s6;
	[dreg:$0x0] =	wrdreg $0x0  }
0xae: {  	s6 =	sshll.u32 s28, $0x1;
	[dreg:$0x2] =	wrdreg s4  }
0xaf: {  	[dreg:$0x3] =	wrdreg s6  }
0xb0: {  	[dreg:$0x4] =	wrdreg $0xC0  }
0xb1: {  	_ =	task [dreg:s8], $0x5FFFF  }
0xb2: {  	[dreg:$0x1] =	wrdreg $0xFFFFFFFF  }
0xb3: {  	[dreg:$0x0] =	wrdreg $0x60  }
0xb4: {  	[dreg:$0x2] =	wrdreg s15  }
0xb5: {  	[dreg:$0x3] =	wrdreg s24  }
0xb6: {  	[dreg:$0x4] =	wrdreg s16  }
0xb7: {  	[dreg:$0x5] =	wrdreg $0x9  }
0xb8: {  	_ =	task.clear_ibuf [dreg:s8], $0x6FFFF;
	_ =	strace $0x90000046  }
0xb9: {  	s29 =	simm.s32 $0x9;
	_ =	strace $0x80000048  }
0xba: {  	_ =	swait.ge [sflag:s29], $0x1  }
0xbb: {  	[sflag:s29] =	ssyncadd.s32 $0xFFFFFFFF  }
0xbc: {  	_ =	strace $0x90000048  }
0xbd: {  	_ =	sfence  }
0xbe: {  	s30 =	sld [smem:$0x0];
	_ =	sdelay $0x2  }
0xbf: {  	s31 =	sshll.u32 s1, $0xD;
	s1 =	sshrl.u32 s1, $0x2  }
0xc0: {  	s3 =	sand.u32 $0x4000, s31;
	s1 =	sadd.s32 s1, s30  }
0xc1: {  	s0 =	sor.u32 s3, s0;
	s1 =	sshll.u32 s1, $0x11  }
0xc2: {  	s0 =	sor.u32 s1, s0  }
0xc3: {  	s0 =	sadd.s32 $0x8F2B, s0  }
0xc4: {  	[sflag:s0] =	ssyncadd.remote.s32 $0x1  }
0xc5: {  	_ =	sfence.sel $0xFFFF  }
0xc6: {  	[dreg:$0x0] =	wrdreg $0xFFFFFFFF;
	(pc) =	sbr.abs _section_cstart, $3  }
0xc7: {  	[dreg:$0x1] =	wrdreg $0xFFFFFFFF  }
0xc8: {  	_ =	task.clear_ibuf [dreg:s8], $0x2FFFF;
	_ =	strace $0x9FFFFFFF  }
0xc9: {  	(tm) =	ssettm $0x7FFFFFFF  }
tec
execute0_lowered:
.L_overlay_start_1:
0x0: {  	(tag) =	ssettag $0x1  }
0x1: {  	s1 =	rddreg [dreg:$0x0]  }
0x2: {  	s4 =	rddreg [dreg:$0x1]  }
0x3: {  	s2 =	srdreg.scid;
	s0 =	stileid.u32  }
0x4: {  	s9 =	rddreg [dreg:$0x2];
	s3 =	simm.s32 $0x0;
	s13 =	simm.s32 $0x100  }
0x5: {  	s14 =	simm.s32 $0x180;
	s15 =	simm.s32 $0x50;
	s16 =	simm.s32 $0x400  }
0x6: {  	s17 =	simm.s32 $0x2C00;
	s18 =	simm.s32 $0x5400;
	s19 =	simm.s32 $0x7C00  }
0x7: {  	s20 =	simm.s32 $0x1;
	s21 =	simm.s32 $0xA400;
	s22 =	simm.s32 $0x0  }
0x8: {  	s5 =	sand.u32 $0x1, s2;
	s6 =	sshll.u32 s0, $0x1;
	[smem:$0x7FF] =	sst s3  }
0x9: {  	s2 =	rddreg [dreg:$0x3];
	s8 =	sor.u32 s5, s6;
	_ =	strace $0x80000047  }
0xa: {  	s5 =	ssub.s32 $0x2, s5;
	s6 =	smul.u32 $0x140, s8;
	s7 =	sshll.u32 s8, $0x6  }
0xb: {  	s30 =	sshrl.u32 s5, $0x1;
	s31 =	sshll.u32 s8, $0x9;
	s11 =	sadd.s32 s7, s4  }
0xc: {  	s12 =	ssub.s32 s5, s30;
	s9 =	sadd.s32 s9, s31;
	s6 =	sshrl.u32 s6, $0x3  }
0xd: {  	s8 =	sadd.s32 $0x800, s11;
	s11 =	simm.s32 $0x2;
	s10 =	sadd.s32 s6, s4  }
0xe: {  	s4 =	sadd.s32 $0x1000, s10;
	s5 =	sadd.s32 $0x100A, s10;
	s6 =	sadd.s32 $0x1014, s10  }
0xf: {  	s7 =	sadd.s32 $0x101E, s10;
	s10 =	smax.u32 s12, $0x1;
	s12 =	simm.s32 $0x80  }
.LBB2_1:
0x10: {  	[tilespmem:s3], [sflag:$0x2] =	stream.linear.gather [hbm4b:s4+s3], $0x50, $0x38;
	[tilespmem:$0xB400] =	vst v63  }
0x11: {  	_ =	swait.ge [sflag:s11], $0x50  }
0x12: {  	[sflag:s11] =	ssyncset.done $0x0  }
0x13: {  	[sflag:s11] =	ssyncadd.s32 $0xFFFFFFB0  }
0x14: {  	[tilespmem:s12], [sflag:$0x2] =	stream.linear.gather [hbm4b:s5+s3], $0x50, $0x38;
	[tilespmem:$0xB400] =	vst v63  }
0x15: {  	_ =	swait.ge [sflag:s11], $0x50  }
0x16: {  	[sflag:s11] =	ssyncset.done $0x0  }
0x17: {  	[sflag:s11] =	ssyncadd.s32 $0xFFFFFFB0  }
0x18: {  	[tilespmem:s13], [sflag:$0x2] =	stream.linear.gather [hbm4b:s6+s3], $0x50, $0x38;
	[tilespmem:$0xB400] =	vst v63  }
0x19: {  	_ =	swait.ge [sflag:s11], $0x50  }
0x1a: {  	[sflag:s11] =	ssyncset.done $0x0  }
0x1b: {  	[sflag:s11] =	ssyncadd.s32 $0xFFFFFFB0  }
0x1c: {  	[tilespmem:s14], [sflag:$0x2] =	stream.linear.gather [hbm4b:s7+s3], $0x50, $0x38;
	[tilespmem:$0xB400] =	vst v63  }
0x1d: {  	_ =	swait.ge [sflag:s11], $0x50  }
0x1e: {  	[sflag:s11] =	ssyncset.done $0x0  }
0x1f: {  	s23 =	simm.s32 $0x200;
	[sflag:s11] =	ssyncadd.s32 $0xFFFFFFB0  }
0x20: {  	[tilespmem:s23], [sflag:$0x2] =	stream.linear.gather [hbm4b:s8+s3], $0x200, $0x38;
	[tilespmem:$0xB400] =	vst v63  }
0x21: {  	_ =	swait.ge [sflag:s11], $0x200  }
0x22: {  	[sflag:s11] =	ssyncset.done $0x0  }
0x23: {  	[sflag:s11] =	ssyncadd.s32 $0xFFFFFE00  }
0x24: {  	[tilespmem:s16], [sflag:$0x1] =	stream.indirect.gather [hbm4b:s1+s15], $0x80, s3, s15, $0xb8;
	[tilespmem:$0xB400] =	vst v63  }
0x25: {  	_ = 	snop  }
0x26: {  	[tilespmem:s17], [sflag:$0x1] =	stream.indirect.gather [hbm4b:s1+s15], $0x80, s12, s15, $0xb8;
	[tilespmem:$0xB400] =	vst v63  }
0x27: {  	_ = 	snop  }
0x28: {  	[tilespmem:s18], [sflag:$0x1] =	stream.indirect.gather [hbm4b:s1+s15], $0x80, s13, s15, $0xb8;
	[tilespmem:$0xB400] =	vst v63  }
0x29: {  	_ = 	snop  }
0x2a: {  	[tilespmem:s19], [sflag:$0x1] =	stream.indirect.gather [hbm4b:s1+s15], $0x80, s14, s15, $0xb8;
	[tilespmem:$0xB400] =	vst v63  }
0x2b: {  	_ =	swait.ge [sflag:s20], $0x2800  }
0x2c: {  	[sflag:s20] =	ssyncset.done $0x0  }
0x2d: {  	[sflag:s20] =	ssyncadd.s32 $0xFFFFD800  }
0x2e: {  	_ =	swait.ge [sflag:s20], $0x2800  }
0x2f: {  	[sflag:s20] =	ssyncset.done $0x0  }
0x30: {  	[sflag:s20] =	ssyncadd.s32 $0xFFFFD800  }
0x31: {  	_ =	swait.ge [sflag:s20], $0x2800  }
0x32: {  	[sflag:s20] =	ssyncset.done $0x0  }
0x33: {  	[sflag:s20] =	ssyncadd.s32 $0xFFFFD800  }
0x34: {  	_ =	swait.ge [sflag:s20], $0x2800  }
0x35: {  	s24 =	simm.s32 $0x9;
	[sflag:s20] =	ssyncset.done $0x0  }
0x36: {  	s25 =	simm.s32 $0xA440;
	s26 =	simm.s32 $0x680;
	[sflag:s20] =	ssyncadd.s32 $0xFFFFD800  }
.LBB2_2:
0x37: {  	v0 =	vld [tilespmem:s23+$0x0]  }
0x38: {  	v1 =	vld [tilespmem:s26+$0xFFFFFD80]  }
0x39: {  	v2 =	vld [tilespmem:s26+$0xFFFFFD90]  }
0x3a: {  	v3 =	vld [tilespmem:s26+$0xFFFFFDA0]  }
0x3b: {  	v4 =	vld [tilespmem:s26+$0xFFFFFDB0]  }
0x3c: {  	v5 =	vld [tilespmem:s26+$0xFFFFFDC0]  }
0x3d: {  	v6 =	vld [tilespmem:s26+$0xFFFFFDD0]  }
0x3e: {  	v7 =	vld [tilespmem:s26+$0xFFFFFDE0]  }
0x3f: {  	v8 =	vld [tilespmem:s26+$0xFFFFFDF0]  }
0x40: {  	v9 =	vld [tilespmem:s26+$0xFFFFFE00]  }
0x41: {  	v10 =	vld [tilespmem:s26+$0xFFFFFE10]  }
0x42: {  	v11 =	vld [tilespmem:s26+$0xFFFFFE20]  }
0x43: {  	v12 =	vld [tilespmem:s26+$0xFFFFFE30]  }
0x44: {  	v13 =	vld [tilespmem:s26+$0xFFFFFE40]  }
0x45: {  	v14 =	vld [tilespmem:s26+$0xFFFFFE50]  }
0x46: {  	v15 =	vld [tilespmem:s26+$0xFFFFFE60]  }
0x47: {  	v16 =	vld [tilespmem:s26+$0xFFFFFE70]  }
0x48: {  	v17 =	vld [tilespmem:s26+$0xFFFFFE80]  }
0x49: {  	v18 =	vld [tilespmem:s26+$0xFFFFFE90]  }
0x4a: {  	v19 =	vld [tilespmem:s26+$0xFFFFFEA0]  }
0x4b: {  	v20 =	vld [tilespmem:s26+$0xFFFFFEB0]  }
0x4c: {  	v21 =	vld [tilespmem:s26+$0xFFFFFEC0]  }
0x4d: {  	v22 =	vld [tilespmem:s26+$0xFFFFFED0]  }
0x4e: {  	v23 =	vld [tilespmem:s26+$0xFFFFFEE0]  }
0x4f: {  	v24 =	vld [tilespmem:s26+$0xFFFFFEF0]  }
0x50: {  	v25 =	vld [tilespmem:s26+$0xFFFFFF00];
	v27 =	vbroadcast v0, $0x0  }
0x51: {  	v26 =	vld [tilespmem:s26+$0xFFFFFF10];
	v33 =	vbroadcast v0, $0x1;
	v61 =	vbroadcast v0, $0x2  }
0x52: {  	v28 =	vld [tilespmem:s26+$0xFFFFFF20];
	v42 =	vbroadcast v0, $0x3;
	v53 =	vbroadcast v0, $0x4  }
0x53: {  	v29 =	vld [tilespmem:s26+$0xFFFFFF30];
	v1 =	vmul.f32 v1, v27;
	v2 =	vmul.f32 v2, v27  }
0x54: {  	v30 =	vld [tilespmem:s26+$0xFFFFFF40];
	v3 =	vmul.f32 v3, v27;
	v4 =	vmul.f32 v4, v27  }
0x55: {  	v31 =	vld [tilespmem:s26+$0xFFFFFF50];
	v5 =	vmul.f32 v5, v27;
	v6 =	vmul.f32 v6, v27  }
0x56: {  	v32 =	vld [tilespmem:s26+$0xFFFFFF60];
	v7 =	vmul.f32 v7, v27;
	v9 =	vmul.f32 v9, v33  }
0x57: {  	v34 =	vld [tilespmem:s26+$0xFFFFFF70];
	v8 =	vmul.f32 v8, v27;
	v10 =	vmul.f32 v10, v33  }
0x58: {  	v35 =	vld [tilespmem:s26+$0xFFFFFF80];
	v58 =	vmul.f32 v11, v33;
	v59 =	vmul.f32 v12, v33  }
0x59: {  	v36 =	vld [tilespmem:s26+$0xFFFFFF90];
	v60 =	vmul.f32 v13, v33;
	v62 =	vmul.f32 v14, v33  }
0x5a: {  	v44 =	vld [tilespmem:s26+$0x40];
	v63 =	vmul.f32 v15, v33;
	v16 =	vmul.f32 v16, v33  }
0x5b: {  	v46 =	vld [tilespmem:s26+$0x50];
	v17 =	vmul.f32 v17, v61;
	v37 =	vmul.f32 v18, v61  }
0x5c: {  	v49 =	vld [tilespmem:s26+$0x60];
	v38 =	vmul.f32 v19, v61;
	v39 =	vmul.f32 v20, v61  }
0x5d: {  	v55 =	vld [tilespmem:s26+$0xA0];
	v40 =	vmul.f32 v21, v61;
	v41 =	vmul.f32 v22, v61  }
0x5e: {  	v27 =	vld [tilespmem:s26+$0xFFFFFFA0];
	v43 =	vmul.f32 v23, v61;
	v45 =	vmul.f32 v25, v42  }
0x5f: {  	v12 =	vld [tilespmem:s26+$0xFFFFFFB0];
	v47 =	vmul.f32 v26, v42;
	v48 =	vmul.f32 v28, v42  }
0x60: {  	v13 =	vld [tilespmem:s26+$0xFFFFFFC0];
	v50 =	vmul.f32 v29, v42;
	v51 =	vmul.f32 v30, v42  }
0x61: {  	v11 =	vld [tilespmem:s26+$0xFFFFFFD0];
	v52 =	vmul.f32 v31, v42;
	v54 =	vmul.f32 v32, v42  }
0x62: {  	v15 =	vld [tilespmem:s26+$0xFFFFFFE0];
	v20 =	vmul.f32 v34, v42;
	v1 =	vadd.f32 $0.0e+00, v1;
	v2 =	vadd.f32 $0.0e+00, v2  }
0x63: {  	v33 =	vld [tilespmem:s26+$0xFFFFFFF0];
	v56 =	vmul.f32 v35, v53;
	v3 =	vadd.f32 $0.0e+00, v3;
	v4 =	vadd.f32 $0.0e+00, v4  }
0x64: {  	v14 =	vld [tilespmem:s26+$0x0];
	v31 =	vbroadcast v0, $0x5;
	v5 =	vadd.f32 $0.0e+00, v5;
	v6 =	vadd.f32 $0.0e+00, v6  }
0x65: {  	v19 =	vld [tilespmem:s26+$0x20];
	v57 =	vmul.f32 v36, v53;
	v7 =	vadd.f32 $0.0e+00, v7;
	v8 =	vadd.f32 $0.0e+00, v8  }
0x66: {  	v21 =	vld [tilespmem:s26+$0x30];
	v44 =	vmul.f32 v44, v31;
	v1 =	vadd.f32 v9, v1;
	v2 =	vadd.f32 v10, v2  }
0x67: {  	v23 =	vld [tilespmem:s26+$0x80];
	v46 =	vmul.f32 v46, v31;
	v3 =	vadd.f32 v58, v3;
	v4 =	vadd.f32 v59, v4  }
0x68: {  	v26 =	vld [tilespmem:s26+$0x90];
	v49 =	vmul.f32 v49, v31;
	v5 =	vadd.f32 v60, v5;
	v6 =	vadd.f32 v62, v6  }
0x69: {  	v32 =	vld [tilespmem:s26+$0xE0];
	v7 =	vadd.f32 v63, v7;
	v8 =	vadd.f32 v16, v8;
	v9 =	vmul.f32 v24, v61  }
0x6a: {  	v36 =	vld [tilespmem:s26+$0xF0];
	v59 =	vmul.f32 v27, v53;
	v61 =	vmul.f32 v12, v53;
	v1 =	vadd.f32 v17, v1  }
0x6b: {  	v42 =	vld [tilespmem:s26+$0x120];
	v63 =	vmul.f32 v13, v53;
	v2 =	vadd.f32 v37, v2;
	v3 =	vadd.f32 v38, v3  }
0x6c: {  	v29 =	vld [tilespmem:s26+$0x1B0];
	v34 =	vmul.f32 v11, v53;
	v4 =	vadd.f32 v39, v4;
	v5 =	vadd.f32 v40, v5  }
0x6d: {  	v16 =	vld [tilespmem:s26+$0x70];
	v35 =	vmul.f32 v15, v53;
	v6 =	vadd.f32 v41, v6;
	v7 =	vadd.f32 v43, v7  }
0x6e: {  	v58 =	vld [tilespmem:s26+$0xB0];
	v14 =	vmul.f32 v14, v31;
	v8 =	vadd.f32 v9, v8;
	v1 =	vadd.f32 v45, v1  }
0x6f: {  	v60 =	vld [tilespmem:s26+$0xC0];
	v37 =	vmul.f32 v33, v53;
	v2 =	vadd.f32 v47, v2;
	v3 =	vadd.f32 v48, v3  }
0x70: {  	v62 =	vld [tilespmem:s26+$0xD0];
	v41 =	vmul.f32 v19, v31;
	v4 =	vadd.f32 v50, v4;
	v5 =	vadd.f32 v51, v5  }
0x71: {  	v17 =	vld [tilespmem:s26+$0x10];
	v43 =	vmul.f32 v21, v31;
	v6 =	vadd.f32 v52, v6;
	v7 =	vadd.f32 v54, v7  }
0x72: {  	v38 =	vld [tilespmem:s26+$0x100];
	v8 =	vadd.f32 v20, v8;
	v47 =	vbroadcast v0, $0x6;
	v1 =	vadd.f32 v56, v1  }
0x73: {  	v40 =	vld [tilespmem:s26+$0x110];
	v51 =	vmul.f32 v16, v31;
	v2 =	vadd.f32 v57, v2;
	v3 =	vadd.f32 v59, v3  }
0x74: {  	v53 =	vld [tilespmem:s26+$0x160];
	v4 =	vadd.f32 v61, v4;
	v5 =	vadd.f32 v63, v5;
	v52 =	vmul.f32 v23, v47  }
0x75: {  	v33 =	vld [tilespmem:s26+$0x1D0];
	v6 =	vadd.f32 v34, v6;
	v54 =	vmul.f32 v26, v47;
	v55 =	vmul.f32 v55, v47  }
0x76: {  	v45 =	vld [tilespmem:s26+$0x130];
	v7 =	vadd.f32 v35, v7;
	v57 =	vmul.f32 v58, v47;
	v59 =	vmul.f32 v60, v47  }
0x77: {  	v48 =	vld [tilespmem:s26+$0x140];
	v8 =	vadd.f32 v37, v8;
	v61 =	vmul.f32 v62, v47;
	v62 =	vbroadcast v0, $0x7  }
0x78: {  	v50 =	vld [tilespmem:s26+$0x150];
	v28 =	vmul.f32 v32, v47;
	v15 =	vmul.f32 v36, v47;
	v1 =	vadd.f32 v14, v1  }
0x79: {  	v56 =	vld [tilespmem:s26+$0x170];
	v39 =	vmul.f32 v17, v31;
	v3 =	vadd.f32 v41, v3;
	v4 =	vadd.f32 v43, v4  }
0x7a: {  	v58 =	vld [tilespmem:s26+$0x180];
	v5 =	vadd.f32 v44, v5;
	v6 =	vadd.f32 v46, v6;
	v30 =	vmul.f32 v38, v62  }
0x7b: {  	v60 =	vld [tilespmem:s26+$0x190];
	v7 =	vadd.f32 v49, v7;
	v11 =	vmul.f32 v40, v62;
	v32 =	vmul.f32 v42, v62  }
0x7c: {  	v63 =	vld [tilespmem:s26+$0x1A0];
	v8 =	vadd.f32 v51, v8;
	v40 =	vbroadcast v0, $0x8;
	v0 =	vbroadcast v0, $0x9  }
0x7d: {  	v35 =	vld [tilespmem:s26+$0x1E0];
	v2 =	vadd.f32 v39, v2;
	v34 =	vmul.f32 v45, v62;
	v36 =	vmul.f32 v48, v62  }
0x7e: {  	v31 =	vld [tilespmem:s26+$0x1C0];
	v37 =	vmul.f32 v50, v62;
	v1 =	vadd.f32 v52, v1;
	v3 =	vadd.f32 v55, v3  }
0x7f: {  	v38 =	vld [tilespmem:s26+$0x1F0];
	v39 =	vmul.f32 v53, v62;
	v4 =	vadd.f32 v57, v4;
	v5 =	vadd.f32 v59, v5  }
0x80: {  	v41 =	vld [tilespmem:s26+$0x200];
	v6 =	vadd.f32 v61, v6;
	v7 =	vadd.f32 v28, v7;
	v49 =	vmul.f32 v29, v40  }
0x81: {  	v43 =	vld [tilespmem:s26+$0x210];
	v8 =	vadd.f32 v15, v8;
	v53 =	vmul.f32 v33, v40;
	v42 =	vmul.f32 v56, v62  }
0x82: {  	v46 =	vld [tilespmem:s26+$0x220];
	v2 =	vadd.f32 v54, v2;
	v44 =	vmul.f32 v58, v40;
	v45 =	vmul.f32 v60, v40  }
0x83: {  	v48 =	vld [tilespmem:s26+$0x230];
	v47 =	vmul.f32 v63, v40;
	v1 =	vadd.f32 v30, v1;
	v3 =	vadd.f32 v32, v3  }
0x84: {  	v50 =	vld [tilespmem:s26+$0x240];
	v58 =	vmul.f32 v35, v40;
	v4 =	vadd.f32 v34, v4;
	v5 =	vadd.f32 v36, v5  }
0x85: {  	v52 =	vld [tilespmem:s26+$0x250];
	v6 =	vadd.f32 v37, v6;
	v7 =	vadd.f32 v39, v7;
	v51 =	vmul.f32 v31, v40  }
0x86: {  	v54 =	vld [tilespmem:s26+$0x260];
	v2 =	vadd.f32 v11, v2;
	v8 =	vadd.f32 v42, v8;
	v18 =	vmul.f32 v41, v0  }
0x87: {  	v56 =	vld [tilespmem:s26+$0x270];
	v12 =	vmul.f32 v43, v0;
	v55 =	vmul.f32 v46, v0;
	v1 =	vadd.f32 v44, v1  }
0x88: {  	v60 =	vmul.f32 v38, v40;
	v3 =	vadd.f32 v47, v3;
	v4 =	vadd.f32 v49, v4  }
0x89: {  	v5 =	vadd.f32 v51, v5;
	v57 =	vmul.f32 v48, v0;
	v1 =	vadd.f32 v18, v1  }
0x8a: {  	v59 =	vmul.f32 v50, v0;
	v2 =	vadd.f32 v45, v2;
	v3 =	vadd.f32 v55, v3  }
0x8b: {  	v61 =	vmul.f32 v52, v0;
	v63 =	vadd.f32 v60, v8;
	v4 =	vadd.f32 v57, v4;
	[tilespmem:s25+$0xFFFFFFC0] =	vst v1  }
0x8c: {  	v5 =	vadd.f32 v59, v5;
	v62 =	vmul.f32 v54, v0;
	v0 =	vmul.f32 v56, v0;
	[tilespmem:s25+$0xFFFFFFE0] =	vst v3  }
0x8d: {  	p0 =	sne.s32 s24, $0x13F;
	v6 =	vadd.f32 v53, v6;
	v2 =	vadd.f32 v12, v2;
	[tilespmem:s25+$0xFFFFFFF0] =	vst v4  }
.Ltmp0:
0x8e: {  	v1 =	vadd.f32 v58, v7;
	[tilespmem:s25+$0x0] =	vst v5;
	v0 =	vadd.f32 v0, v63;
	(pc) =	sbr.rel @p0 .LBB2_2-.Ltmp0, $4  }
0x8f: {  	[tilespmem:s25+$0xFFFFFFD0] =	vst v2;
	v2 =	vadd.f32 v61, v6  }
0x90: {  	v1 =	vadd.f32 v62, v1;
	[tilespmem:s25+$0x30] =	vst v0  }
0x91: {  	s23 =	sadd.s32 $0x10, s23;
	[tilespmem:s25+$0x10] =	vst v2  }
0x92: {  	s24 =	sadd.s32 $0xA, s24;
	s26 =	sadd.s32 $0x500, s26;
	[tilespmem:s25+$0x20] =	vst v1;
	s25 =	sadd.s32 $0x80, s25  }
0x93: {  	s22 =	sadd.s32 $0x1, s22  }
0x94: {  	p0 =	sne.s32 s22, s10  }
.Ltmp1:
0x95: {  	_ = 	snop;
	(pc) =	sbr.rel @p0 .LBB2_1-.Ltmp1, $4  }
0x96: {  	[hbm4b:s9+s3] =	stream.linear.scatter [tilespmem:s21], [sflag:$0x2], $0x1000, $0x38;
	[tilespmem:$0xB400] =	vst v63  }
0x97: {  	_ =	swait.ge [sflag:s11], $0x1000  }
0x98: {  	[sflag:s11] =	ssyncset.done $0x0  }
0x99: {  	[sflag:s11] =	ssyncadd.s32 $0xFFFFF000  }
0x9a: {  	_ =	sfence.sel $0x180000  }
0x9b: {  	[bflag:$0x0] =	sbarrier.arrive $0xFFFF  }
0x9c: {  	p0 =	sne.s32 s0, $0x0;
	_ =	strace $0x90000047  }
0x9d: {  	s0 =	sadd.s32 @!p0 $0x100000, s2;
	[bflag:$0x2] =	sbarrier.arrive $0xFFFF  }
0x9e: {  	[sflag:s0] =	ssyncadd.tile.s32 @!p0 $0x1;
	_ =	shalt  }
.Lfunc_end2:
_tile_overlayer_lowered:
.L_overlay_start_2:
0x9f: {  	(tag) =	ssettag $0x2  }
0xa0: {  	s0 =	rddreg [dreg:$0x0];
	s2 =	stileid.u32  }
0xa1: {  	s1 =	rddreg [dreg:$0x1];
	p0 =	sne.s32 s2, $0x0  }
0xa2: {  	s3 =	rddreg [dreg:$0x2];
	[bflag:$0x3] =	sbarrier.arrive $0xFFFF;
	s2 =	simm.s32 @!p0 $0x1C02  }
0xa3: {  	[timem:s3], [sflag:s2] =	dma.local @!p0 [hbm:s0], s1  }
0xa4: {  	s0 =	simm.s32 @!p0 $0x2  }
0xa5: {  	_ =	swait.ge @!p0 [sflag:s0], s1  }
0xa6: {  	s1 =	ssub.s32 @!p0 $0x0, s1;
	[sflag:s0] =	ssyncset.done @!p0 $0x0  }
0xa7: {  	[sflag:s0] =	ssyncadd.s32 @!p0 s1  }
0xa8: {  	[bflag:$0x3] =	sbarrier.arrive $0xFFFF  }
0xa9: {  	_ =	shalt  }

</sc_bundles>
